<compile_context>
chip_gen: v7x
topology: tpu7x:2x2x1
jax: 0.10.2.dev20260603
libtpu: 0.0.44.dev20260713+nightly
codegen_flags: <defaults>
</compile_context>

<pallas_src>
import functools

import jax
import jax.numpy as jnp
from jax import lax
from jax.experimental import pallas as pl
from jax.experimental.pallas import tpu as pltpu
from jax.experimental.pallas import tpu_sc as plsc

D_LANES = 16


def kernel(z, row, col):
    n_nodes, d_feat = z.shape
    n_edges = row.shape[0]
    n_workers = 32
    per_w = n_edges // n_workers
    chunk = 128
    n_chunks = (per_w + chunk - 1) // chunk
    n_groups = chunk // D_LANES
    d_half = d_feat // (2 * D_LANES)
    d_pack = d_feat // 2

    mesh = plsc.VectorSubcoreMesh(core_axis_name="c", subcore_axis_name="s")

    @functools.partial(
        pl.kernel,
        out_type=jax.ShapeDtypeStruct((n_edges,), jnp.float32),
        mesh=mesh,
        compiler_params=pltpu.CompilerParams(needs_layout_passes=False, use_tc_tiling_on_sc=False),
        scratch_types=[
            pltpu.VMEM((per_w,), jnp.int32),
            pltpu.VMEM((per_w,), jnp.int32),
            pltpu.VMEM((4, chunk, d_pack), jnp.int32),
            pltpu.VMEM((4, chunk, d_pack), jnp.int32),
            pltpu.VMEM((per_w,), jnp.float32),
            pltpu.SemaphoreType.DMA((4,)),
        ],
    )
    def sc_kernel(z_hbm, row_hbm, col_hbm, out_hbm,
                  ridx, cidx, rbuf, cbuf, obuf, sems):
        wid = lax.axis_index("s") * 2 + lax.axis_index("c")
        base = pl.multiple_of(wid * per_w, 8)
        pltpu.sync_copy(row_hbm.at[pl.ds(base, per_w)], ridx)
        pltpu.sync_copy(col_hbm.at[pl.ds(base, per_w)], cidx)

        lane = lax.iota(jnp.int32, D_LANES)
        bfly = [lane ^ (1 << b) for b in range(4)]

        def chunk_off(ci):
            return pl.multiple_of(
                lax.min(ci * chunk, per_w - chunk), 8)

        def start(ci, sel):
            off = chunk_off(ci)
            pltpu.async_copy(
                z_hbm.at[ridx.at[pl.ds(off, chunk)]], rbuf.at[sel], sems.at[sel])
            pltpu.async_copy(
                z_hbm.at[cidx.at[pl.ds(off, chunk)]], cbuf.at[sel], sems.at[sel])

        def wait(sel):
            pltpu.make_async_copy(
                z_hbm.at[ridx.at[pl.ds(0, chunk)]], rbuf.at[sel], sems.at[sel]).wait()
            pltpu.make_async_copy(
                z_hbm.at[cidx.at[pl.ds(0, chunk)]], cbuf.at[sel], sems.at[sel]).wait()

        def perm(x, p):
            return jnp.take_along_axis(x, p, axis=0, mode="promise_in_bounds")

        def compute(ci, sel):
            off = chunk_off(ci)

            @plsc.parallel_loop(0, n_groups)
            def group_body(g):
                e0 = g * D_LANES
                vecs = []
                for j in range(D_LANES):
                    e = e0 + j
                    rv = [rbuf[sel, e, k * D_LANES:(k + 1) * D_LANES]
                          for k in range(d_half)]
                    cv = [cbuf[sel, e, k * D_LANES:(k + 1) * D_LANES]
                          for k in range(d_half)]
                    prods = []
                    for k in range(d_half):
                        pk = (plsc.bitcast(rv[k], jnp.bfloat16)
                              * plsc.bitcast(cv[k], jnp.bfloat16))
                        plo, phi = plsc.unpack(pk, format=plsc.PackFormat.INTERLEAVED)
                        prods.append(plo)
                        prods.append(phi)
                    while len(prods) > 1:
                        prods = [prods[i] + prods[i + 1]
                                 for i in range(0, len(prods), 2)]
                    vecs.append(prods[0])
                for b in range(4):
                    s = 1 << b
                    p = bfly[b]
                    hi = (lane & s) != 0
                    vecs = [jnp.where(hi,
                                      vecs[i + 1] + perm(vecs[i + 1], p),
                                      vecs[i] + perm(vecs[i], p))
                            for i in range(0, len(vecs), 2)]
                obuf[pl.ds(off + e0, D_LANES)] = vecs[0]

        depth = 3
        for w in range(depth):
            start(w, w)

        def chunk_body(ci, carry):
            sel = lax.bitwise_and(ci, 3)
            nxt = lax.bitwise_and(ci + depth, 3)

            @pl.when(ci + depth < n_chunks)
            def _prefetch():
                start(ci + depth, nxt)

            wait(sel)
            compute(ci, sel)
            return carry

        lax.fori_loop(0, n_chunks, chunk_body, 0)
        pltpu.sync_copy(obuf, out_hbm.at[pl.ds(base, per_w)])

    z_packed = lax.bitcast_convert_type(
        z.astype(jnp.bfloat16).reshape(n_nodes, d_feat // 2, 2), jnp.int32)
    return sc_kernel(z_packed, row, col)

# --- scband reference (transcript-rebuilt; emitter-appended) ---
"""Pipeline reference for scband-dot-product-22196390985761 (READ-ONLY COPY).

The authoritative reference and input builder live on the scoring server;
editing this copy changes nothing except your own understanding.
"""

import jax, jax.numpy as jnp
import numpy as np

N_NODES = 10000
D_FEAT = 128
N_EDGES = 320000


def setup_inputs(seed: int = 0) -> dict:
    key = jax.random.key(seed)
    k_z, k_row, k_col = jax.random.split(key, 3)
    z = jax.random.normal(k_z, (N_NODES, D_FEAT), dtype=jnp.float32)
    row = jax.random.randint(k_row, (N_EDGES,), 0, N_NODES, dtype=jnp.int64) if jax.config.jax_enable_x64 else jax.random.randint(k_row, (N_EDGES,), 0, N_NODES, dtype=jnp.int32)
    col = jax.random.randint(k_col, (N_EDGES,), 0, N_NODES, dtype=jnp.int32)
    row = row.astype(jnp.int32)
    return {"z": z, "row": row, "col": col}


def reference(z, row, col):
    # Faithful translation of:
    #   dot_product = torch.einsum('ij,ij->i', z[row], z[col])
    # gather rows of the node embedding table, then per-edge dot product.
    z_row = jnp.take(z, row, axis=0)
    z_col = jnp.take(z, col, axis=0)
    dot_product = jnp.einsum('ij,ij->i', z_row, z_col)
    return dot_product

if __name__ == "__main__":
    import jax
    _d = setup_inputs()
    print(jax.jit(kernel)(*tuple(_d.values())))

</pallas_src>

<mosaic_0001>
#map = affine_map<(d0, d1) -> (0, 0)>
#map1 = affine_map<(d0, d1) -> (0)>
module attributes {stable_mosaic.version = 14 : i64} {
  func.func @sc_kernel(%arg0: i32, %arg1: i32, %arg2: memref<10000x64xi32, #tpu.memory_space<hbm>>, %arg3: memref<320000xi32, #tpu.memory_space<hbm>>, %arg4: memref<320000xi32, #tpu.memory_space<hbm>>, %arg5: memref<320000xf32, #tpu.memory_space<hbm>>, %arg6: memref<10000xi32, #tpu.memory_space<vmem>>, %arg7: memref<10000xi32, #tpu.memory_space<vmem>>, %arg8: memref<4x128x64xi32, #tpu.memory_space<vmem>>, %arg9: memref<4x128x64xi32, #tpu.memory_space<vmem>>, %arg10: memref<10000xf32, #tpu.memory_space<vmem>>, %arg11: memref<4x!tpu.dma_semaphore, #tpu.memory_space<semaphore_mem>>) attributes {dimension_semantics = [#tpu.dimension_semantics<core_parallel>, #tpu.dimension_semantics<subcore_parallel>], iteration_bounds = array<i64: 2, 16>, scalar_prefetch = 0 : i64, scratch_operands = 6 : i64, tpu.core_type = #tpu.core_type<sc_vector_subcore>, window_params = [{transform_indices = #map}, {transform_indices = #map1}, {transform_indices = #map1}, {transform_indices = #map1}]} {
    %mul3A = arith.constant 2 : i32
    %mul3A_0 = arith.muli %arg1, %mul3A : i32
    %add3A = arith.addi %mul3A_0, %arg0 : i32
    %mul3A_1 = arith.constant 10000 : i32
    %mul3A_2 = arith.muli %add3A, %mul3A_1 : i32
    %multiple_of3A = tpu.assume_multiple %mul3A_2, 8 : i32
    "tpu.region"() ({
      %run_scoped3A = tpu.sem_alloc : memref<!tpu.dma_semaphore, #tpu.memory_space<semaphore_mem>>
      %dma_start3A_101 = tpu.memref_slice %arg3[%multiple_of3A] : memref<320000xi32, #tpu.memory_space<hbm>> -> memref<10000xi32, #tpu.memory_space<hbm>>
      %dma_start3A_102 = tpu.memref_slice %arg3[%multiple_of3A] : memref<320000xi32, #tpu.memory_space<hbm>> -> memref<10000xi32, #tpu.memory_space<hbm>>
      tpu.enqueue_dma source(%dma_start3A_102 : memref<10000xi32, #tpu.memory_space<hbm>>) target(%arg6 : memref<10000xi32, #tpu.memory_space<vmem>>) target_semaphore(%run_scoped3A : memref<!tpu.dma_semaphore, #tpu.memory_space<semaphore_mem>>)
      %dma_wait3A = tpu.memref_slice %arg3[%multiple_of3A] : memref<320000xi32, #tpu.memory_space<hbm>> -> memref<10000xi32, #tpu.memory_space<hbm>>
      %dma_wait3A_103 = tpu.memref_slice %arg3[%multiple_of3A] : memref<320000xi32, #tpu.memory_space<hbm>> -> memref<10000xi32, #tpu.memory_space<hbm>>
      tpu.wait_dma2 semaphore(%run_scoped3A : memref<!tpu.dma_semaphore, #tpu.memory_space<semaphore_mem>>) src(%dma_wait3A_103 : memref<10000xi32, #tpu.memory_space<hbm>>) dst(%arg6 : memref<10000xi32, #tpu.memory_space<vmem>>)
      tpu.yield
    }) : () -> ()
    "tpu.region"() ({
      %run_scoped3A = tpu.sem_alloc : memref<!tpu.dma_semaphore, #tpu.memory_space<semaphore_mem>>
      %dma_start3A_101 = tpu.memref_slice %arg4[%multiple_of3A] : memref<320000xi32, #tpu.memory_space<hbm>> -> memref<10000xi32, #tpu.memory_space<hbm>>
      %dma_start3A_102 = tpu.memref_slice %arg4[%multiple_of3A] : memref<320000xi32, #tpu.memory_space<hbm>> -> memref<10000xi32, #tpu.memory_space<hbm>>
      tpu.enqueue_dma source(%dma_start3A_102 : memref<10000xi32, #tpu.memory_space<hbm>>) target(%arg7 : memref<10000xi32, #tpu.memory_space<vmem>>) target_semaphore(%run_scoped3A : memref<!tpu.dma_semaphore, #tpu.memory_space<semaphore_mem>>)
      %dma_wait3A = tpu.memref_slice %arg4[%multiple_of3A] : memref<320000xi32, #tpu.memory_space<hbm>> -> memref<10000xi32, #tpu.memory_space<hbm>>
      %dma_wait3A_103 = tpu.memref_slice %arg4[%multiple_of3A] : memref<320000xi32, #tpu.memory_space<hbm>> -> memref<10000xi32, #tpu.memory_space<hbm>>
      tpu.wait_dma2 semaphore(%run_scoped3A : memref<!tpu.dma_semaphore, #tpu.memory_space<semaphore_mem>>) src(%dma_wait3A_103 : memref<10000xi32, #tpu.memory_space<hbm>>) dst(%arg7 : memref<10000xi32, #tpu.memory_space<vmem>>)
      tpu.yield
    }) : () -> ()
    %iota3A = tpu.iota {dimensions = array<i32: 0>} : vector<16xi32>
    %xor3A = arith.constant 1 : i32
    %xor3A_3 = vector.broadcast %xor3A : i32 to vector<16xi32>
    %xor3A_4 = arith.xori %iota3A, %xor3A_3 : vector<16xi32>
    %xor3A_5 = arith.constant 2 : i32
    %xor3A_6 = vector.broadcast %xor3A_5 : i32 to vector<16xi32>
    %xor3A_7 = arith.xori %iota3A, %xor3A_6 : vector<16xi32>
    %xor3A_8 = arith.constant 4 : i32
    %xor3A_9 = vector.broadcast %xor3A_8 : i32 to vector<16xi32>
    %xor3A_10 = arith.xori %iota3A, %xor3A_9 : vector<16xi32>
    %xor3A_11 = arith.constant 8 : i32
    %xor3A_12 = vector.broadcast %xor3A_11 : i32 to vector<16xi32>
    %xor3A_13 = arith.xori %iota3A, %xor3A_12 : vector<16xi32>
    %min3A = arith.constant 0 : i32
    %min3A_14 = arith.constant 9872 : i32
    %min3A_15 = arith.minsi %min3A, %min3A_14 : i32
    %multiple_of3A_16 = tpu.assume_multiple %min3A_15, 8 : i32
    %dma_start3A = arith.constant 0 : i32
    %dma_start3A_17 = arith.constant 0 : i32
    %dma_start3A_18 = arith.constant 0 : i32
    %dma_start3A_19 = arith.constant 0 : i32
    %dma_start3A_20 = tpu.memref_slice %arg8[%dma_start3A, %dma_start3A_18, %dma_start3A_19] : memref<4x128x64xi32, #tpu.memory_space<vmem>> -> memref<1x128x64xi32, #tpu.memory_space<vmem>>
    %dma_start3A_21 = tpu.memref_squeeze %dma_start3A_20 : memref<1x128x64xi32, #tpu.memory_space<vmem>> -> memref<128x64xi32, #tpu.memory_space<vmem>>
    %dma_start3A_22 = tpu.memref_slice %arg6[%multiple_of3A_16] : memref<10000xi32, #tpu.memory_space<vmem>> -> memref<128xi32, #tpu.memory_space<vmem>>
    %dma_start3A_23 = arith.constant 0 : i32
    %dma_start3A_24 = arith.constant 0 : i32
    %dma_start3A_25 = tpu.memref_slice %arg2[%dma_start3A_23, %dma_start3A_24] : memref<10000x64xi32, #tpu.memory_space<hbm>> -> memref<10000x64xi32, #tpu.memory_space<hbm>>
    %dma_start3A_26 = tpu.memref_slice %arg11[%dma_start3A_17] : memref<4x!tpu.dma_semaphore, #tpu.memory_space<semaphore_mem>> -> memref<1x!tpu.dma_semaphore, #tpu.memory_space<semaphore_mem>>
    %dma_start3A_27 = tpu.memref_squeeze %dma_start3A_26 : memref<1x!tpu.dma_semaphore, #tpu.memory_space<semaphore_mem>> -> memref<!tpu.dma_semaphore, #tpu.memory_space<semaphore_mem>>
    tpu.enqueue_indirect_dma source(%dma_start3A_25 : memref<10000x64xi32, #tpu.memory_space<hbm>>) target(%dma_start3A_21 : memref<128x64xi32, #tpu.memory_space<vmem>>) offsets(%dma_start3A_22 : memref<128xi32, #tpu.memory_space<vmem>>) semaphore(%dma_start3A_27 : memref<!tpu.dma_semaphore, #tpu.memory_space<semaphore_mem>>)
    %dma_start3A_28 = arith.constant 0 : i32
    %dma_start3A_29 = arith.constant 0 : i32
    %dma_start3A_30 = arith.constant 0 : i32
    %dma_start3A_31 = arith.constant 0 : i32
    %dma_start3A_32 = tpu.memref_slice %arg9[%dma_start3A_28, %dma_start3A_30, %dma_start3A_31] : memref<4x128x64xi32, #tpu.memory_space<vmem>> -> memref<1x128x64xi32, #tpu.memory_space<vmem>>
    %dma_start3A_33 = tpu.memref_squeeze %dma_start3A_32 : memref<1x128x64xi32, #tpu.memory_space<vmem>> -> memref<128x64xi32, #tpu.memory_space<vmem>>
    %dma_start3A_34 = tpu.memref_slice %arg7[%multiple_of3A_16] : memref<10000xi32, #tpu.memory_space<vmem>> -> memref<128xi32, #tpu.memory_space<vmem>>
    %dma_start3A_35 = arith.constant 0 : i32
    %dma_start3A_36 = arith.constant 0 : i32
    %dma_start3A_37 = tpu.memref_slice %arg2[%dma_start3A_35, %dma_start3A_36] : memref<10000x64xi32, #tpu.memory_space<hbm>> -> memref<10000x64xi32, #tpu.memory_space<hbm>>
    %dma_start3A_38 = tpu.memref_slice %arg11[%dma_start3A_29] : memref<4x!tpu.dma_semaphore, #tpu.memory_space<semaphore_mem>> -> memref<1x!tpu.dma_semaphore, #tpu.memory_space<semaphore_mem>>
    %dma_start3A_39 = tpu.memref_squeeze %dma_start3A_38 : memref<1x!tpu.dma_semaphore, #tpu.memory_space<semaphore_mem>> -> memref<!tpu.dma_semaphore, #tpu.memory_space<semaphore_mem>>
    tpu.enqueue_indirect_dma source(%dma_start3A_37 : memref<10000x64xi32, #tpu.memory_space<hbm>>) target(%dma_start3A_33 : memref<128x64xi32, #tpu.memory_space<vmem>>) offsets(%dma_start3A_34 : memref<128xi32, #tpu.memory_space<vmem>>) semaphore(%dma_start3A_39 : memref<!tpu.dma_semaphore, #tpu.memory_space<semaphore_mem>>)
    %min3A_40 = arith.constant 128 : i32
    %min3A_41 = arith.constant 9872 : i32
    %min3A_42 = arith.minsi %min3A_40, %min3A_41 : i32
    %multiple_of3A_43 = tpu.assume_multiple %min3A_42, 8 : i32
    %dma_start3A_44 = arith.constant 1 : i32
    %dma_start3A_45 = arith.constant 1 : i32
    %dma_start3A_46 = arith.constant 0 : i32
    %dma_start3A_47 = arith.constant 0 : i32
    %dma_start3A_48 = tpu.memref_slice %arg8[%dma_start3A_44, %dma_start3A_46, %dma_start3A_47] : memref<4x128x64xi32, #tpu.memory_space<vmem>> -> memref<1x128x64xi32, #tpu.memory_space<vmem>>
    %dma_start3A_49 = tpu.memref_squeeze %dma_start3A_48 : memref<1x128x64xi32, #tpu.memory_space<vmem>> -> memref<128x64xi32, #tpu.memory_space<vmem>>
    %dma_start3A_50 = tpu.memref_slice %arg6[%multiple_of3A_43] : memref<10000xi32, #tpu.memory_space<vmem>> -> memref<128xi32, #tpu.memory_space<vmem>>
    %dma_start3A_51 = arith.constant 0 : i32
    %dma_start3A_52 = arith.constant 0 : i32
    %dma_start3A_53 = tpu.memref_slice %arg2[%dma_start3A_51, %dma_start3A_52] : memref<10000x64xi32, #tpu.memory_space<hbm>> -> memref<10000x64xi32, #tpu.memory_space<hbm>>
    %dma_start3A_54 = tpu.memref_slice %arg11[%dma_start3A_45] : memref<4x!tpu.dma_semaphore, #tpu.memory_space<semaphore_mem>> -> memref<1x!tpu.dma_semaphore, #tpu.memory_space<semaphore_mem>>
    %dma_start3A_55 = tpu.memref_squeeze %dma_start3A_54 : memref<1x!tpu.dma_semaphore, #tpu.memory_space<semaphore_mem>> -> memref<!tpu.dma_semaphore, #tpu.memory_space<semaphore_mem>>
    tpu.enqueue_indirect_dma source(%dma_start3A_53 : memref<10000x64xi32, #tpu.memory_space<hbm>>) target(%dma_start3A_49 : memref<128x64xi32, #tpu.memory_space<vmem>>) offsets(%dma_start3A_50 : memref<128xi32, #tpu.memory_space<vmem>>) semaphore(%dma_start3A_55 : memref<!tpu.dma_semaphore, #tpu.memory_space<semaphore_mem>>)
    %dma_start3A_56 = arith.constant 1 : i32
    %dma_start3A_57 = arith.constant 1 : i32
    %dma_start3A_58 = arith.constant 0 : i32
    %dma_start3A_59 = arith.constant 0 : i32
    %dma_start3A_60 = tpu.memref_slice %arg9[%dma_start3A_56, %dma_start3A_58, %dma_start3A_59] : memref<4x128x64xi32, #tpu.memory_space<vmem>> -> memref<1x128x64xi32, #tpu.memory_space<vmem>>
    %dma_start3A_61 = tpu.memref_squeeze %dma_start3A_60 : memref<1x128x64xi32, #tpu.memory_space<vmem>> -> memref<128x64xi32, #tpu.memory_space<vmem>>
    %dma_start3A_62 = tpu.memref_slice %arg7[%multiple_of3A_43] : memref<10000xi32, #tpu.memory_space<vmem>> -> memref<128xi32, #tpu.memory_space<vmem>>
    %dma_start3A_63 = arith.constant 0 : i32
    %dma_start3A_64 = arith.constant 0 : i32
    %dma_start3A_65 = tpu.memref_slice %arg2[%dma_start3A_63, %dma_start3A_64] : memref<10000x64xi32, #tpu.memory_space<hbm>> -> memref<10000x64xi32, #tpu.memory_space<hbm>>
    %dma_start3A_66 = tpu.memref_slice %arg11[%dma_start3A_57] : memref<4x!tpu.dma_semaphore, #tpu.memory_space<semaphore_mem>> -> memref<1x!tpu.dma_semaphore, #tpu.memory_space<semaphore_mem>>
    %dma_start3A_67 = tpu.memref_squeeze %dma_start3A_66 : memref<1x!tpu.dma_semaphore, #tpu.memory_space<semaphore_mem>> -> memref<!tpu.dma_semaphore, #tpu.memory_space<semaphore_mem>>
    tpu.enqueue_indirect_dma source(%dma_start3A_65 : memref<10000x64xi32, #tpu.memory_space<hbm>>) target(%dma_start3A_61 : memref<128x64xi32, #tpu.memory_space<vmem>>) offsets(%dma_start3A_62 : memref<128xi32, #tpu.memory_space<vmem>>) semaphore(%dma_start3A_67 : memref<!tpu.dma_semaphore, #tpu.memory_space<semaphore_mem>>)
    %min3A_68 = arith.constant 256 : i32
    %min3A_69 = arith.constant 9872 : i32
    %min3A_70 = arith.minsi %min3A_68, %min3A_69 : i32
    %multiple_of3A_71 = tpu.assume_multiple %min3A_70, 8 : i32
    %dma_start3A_72 = arith.constant 2 : i32
    %dma_start3A_73 = arith.constant 2 : i32
    %dma_start3A_74 = arith.constant 0 : i32
    %dma_start3A_75 = arith.constant 0 : i32
    %dma_start3A_76 = tpu.memref_slice %arg8[%dma_start3A_72, %dma_start3A_74, %dma_start3A_75] : memref<4x128x64xi32, #tpu.memory_space<vmem>> -> memref<1x128x64xi32, #tpu.memory_space<vmem>>
    %dma_start3A_77 = tpu.memref_squeeze %dma_start3A_76 : memref<1x128x64xi32, #tpu.memory_space<vmem>> -> memref<128x64xi32, #tpu.memory_space<vmem>>
    %dma_start3A_78 = tpu.memref_slice %arg6[%multiple_of3A_71] : memref<10000xi32, #tpu.memory_space<vmem>> -> memref<128xi32, #tpu.memory_space<vmem>>
    %dma_start3A_79 = arith.constant 0 : i32
    %dma_start3A_80 = arith.constant 0 : i32
    %dma_start3A_81 = tpu.memref_slice %arg2[%dma_start3A_79, %dma_start3A_80] : memref<10000x64xi32, #tpu.memory_space<hbm>> -> memref<10000x64xi32, #tpu.memory_space<hbm>>
    %dma_start3A_82 = tpu.memref_slice %arg11[%dma_start3A_73] : memref<4x!tpu.dma_semaphore, #tpu.memory_space<semaphore_mem>> -> memref<1x!tpu.dma_semaphore, #tpu.memory_space<semaphore_mem>>
    %dma_start3A_83 = tpu.memref_squeeze %dma_start3A_82 : memref<1x!tpu.dma_semaphore, #tpu.memory_space<semaphore_mem>> -> memref<!tpu.dma_semaphore, #tpu.memory_space<semaphore_mem>>
    tpu.enqueue_indirect_dma source(%dma_start3A_81 : memref<10000x64xi32, #tpu.memory_space<hbm>>) target(%dma_start3A_77 : memref<128x64xi32, #tpu.memory_space<vmem>>) offsets(%dma_start3A_78 : memref<128xi32, #tpu.memory_space<vmem>>) semaphore(%dma_start3A_83 : memref<!tpu.dma_semaphore, #tpu.memory_space<semaphore_mem>>)
    %dma_start3A_84 = arith.constant 2 : i32
    %dma_start3A_85 = arith.constant 2 : i32
    %dma_start3A_86 = arith.constant 0 : i32
    %dma_start3A_87 = arith.constant 0 : i32
    %dma_start3A_88 = tpu.memref_slice %arg9[%dma_start3A_84, %dma_start3A_86, %dma_start3A_87] : memref<4x128x64xi32, #tpu.memory_space<vmem>> -> memref<1x128x64xi32, #tpu.memory_space<vmem>>
    %dma_start3A_89 = tpu.memref_squeeze %dma_start3A_88 : memref<1x128x64xi32, #tpu.memory_space<vmem>> -> memref<128x64xi32, #tpu.memory_space<vmem>>
    %dma_start3A_90 = tpu.memref_slice %arg7[%multiple_of3A_71] : memref<10000xi32, #tpu.memory_space<vmem>> -> memref<128xi32, #tpu.memory_space<vmem>>
    %dma_start3A_91 = arith.constant 0 : i32
    %dma_start3A_92 = arith.constant 0 : i32
    %dma_start3A_93 = tpu.memref_slice %arg2[%dma_start3A_91, %dma_start3A_92] : memref<10000x64xi32, #tpu.memory_space<hbm>> -> memref<10000x64xi32, #tpu.memory_space<hbm>>
    %dma_start3A_94 = tpu.memref_slice %arg11[%dma_start3A_85] : memref<4x!tpu.dma_semaphore, #tpu.memory_space<semaphore_mem>> -> memref<1x!tpu.dma_semaphore, #tpu.memory_space<semaphore_mem>>
    %dma_start3A_95 = tpu.memref_squeeze %dma_start3A_94 : memref<1x!tpu.dma_semaphore, #tpu.memory_space<semaphore_mem>> -> memref<!tpu.dma_semaphore, #tpu.memory_space<semaphore_mem>>
    tpu.enqueue_indirect_dma source(%dma_start3A_93 : memref<10000x64xi32, #tpu.memory_space<hbm>>) target(%dma_start3A_89 : memref<128x64xi32, #tpu.memory_space<vmem>>) offsets(%dma_start3A_90 : memref<128xi32, #tpu.memory_space<vmem>>) semaphore(%dma_start3A_95 : memref<!tpu.dma_semaphore, #tpu.memory_space<semaphore_mem>>)
    %scan3A = arith.constant 0 : i32
    %scan3A_96 = arith.constant 0 : i32
    %scan3A_97 = arith.constant 79 : i32
    %scan3A_98 = arith.addi %scan3A_96, %scan3A_97 : i32
    %scan3A_99 = arith.constant 1 : i32
    scf.for %scan3A_101 = %scan3A_96 to %scan3A_98 step %scan3A_99  : i32 {
      %and3A = arith.constant 3 : i32
      %and3A_102 = arith.andi %scan3A_101, %and3A : i32
      %add3A_103 = arith.constant 3 : i32
      %add3A_104 = arith.addi %scan3A_101, %add3A_103 : i32
      %and3A_105 = arith.constant 3 : i32
      %and3A_106 = arith.andi %add3A_104, %and3A_105 : i32
      %add3A_107 = arith.constant 3 : i32
      %add3A_108 = arith.addi %scan3A_101, %add3A_107 : i32
      %lt3A = arith.constant 79 : i32
      %lt3A_109 = arith.cmpi slt, %add3A_108, %lt3A : i32
      %convert_element_type3A = arith.extui %lt3A_109 : i1 to i32
      %cond3A = arith.constant 0 : i32
      %cond3A_110 = arith.cmpi ne, %convert_element_type3A, %cond3A : i32
      scf.if %cond3A_110 {
        %add3A_139 = arith.constant 3 : i32
        %add3A_140 = arith.addi %scan3A_101, %add3A_139 : i32
        %mul3A_141 = arith.constant 128 : i32
        %mul3A_142 = arith.muli %add3A_140, %mul3A_141 : i32
        %min3A_143 = arith.constant 9872 : i32
        %min3A_144 = arith.minsi %mul3A_142, %min3A_143 : i32
        %multiple_of3A_145 = tpu.assume_multiple %min3A_144, 8 : i32
        %dma_start3A_146 = arith.constant 0 : i32
        %dma_start3A_147 = arith.constant 0 : i32
        %dma_start3A_148 = tpu.memref_slice %arg8[%and3A_106, %dma_start3A_146, %dma_start3A_147] : memref<4x128x64xi32, #tpu.memory_space<vmem>> -> memref<1x128x64xi32, #tpu.memory_space<vmem>>
        %dma_start3A_149 = tpu.memref_squeeze %dma_start3A_148 : memref<1x128x64xi32, #tpu.memory_space<vmem>> -> memref<128x64xi32, #tpu.memory_space<vmem>>
        %dma_start3A_150 = tpu.memref_slice %arg6[%multiple_of3A_145] : memref<10000xi32, #tpu.memory_space<vmem>> -> memref<128xi32, #tpu.memory_space<vmem>>
        %dma_start3A_151 = arith.constant 0 : i32
        %dma_start3A_152 = arith.constant 0 : i32
        %dma_start3A_153 = tpu.memref_slice %arg2[%dma_start3A_151, %dma_start3A_152] : memref<10000x64xi32, #tpu.memory_space<hbm>> -> memref<10000x64xi32, #tpu.memory_space<hbm>>
        %dma_start3A_154 = tpu.memref_slice %arg11[%and3A_106] : memref<4x!tpu.dma_semaphore, #tpu.memory_space<semaphore_mem>> -> memref<1x!tpu.dma_semaphore, #tpu.memory_space<semaphore_mem>>
        %dma_start3A_155 = tpu.memref_squeeze %dma_start3A_154 : memref<1x!tpu.dma_semaphore, #tpu.memory_space<semaphore_mem>> -> memref<!tpu.dma_semaphore, #tpu.memory_space<semaphore_mem>>
        tpu.enqueue_indirect_dma source(%dma_start3A_153 : memref<10000x64xi32, #tpu.memory_space<hbm>>) target(%dma_start3A_149 : memref<128x64xi32, #tpu.memory_space<vmem>>) offsets(%dma_start3A_150 : memref<128xi32, #tpu.memory_space<vmem>>) semaphore(%dma_start3A_155 : memref<!tpu.dma_semaphore, #tpu.memory_space<semaphore_mem>>)
        %dma_start3A_156 = arith.constant 0 : i32
        %dma_start3A_157 = arith.constant 0 : i32
        %dma_start3A_158 = tpu.memref_slice %arg9[%and3A_106, %dma_start3A_156, %dma_start3A_157] : memref<4x128x64xi32, #tpu.memory_space<vmem>> -> memref<1x128x64xi32, #tpu.memory_space<vmem>>
        %dma_start3A_159 = tpu.memref_squeeze %dma_start3A_158 : memref<1x128x64xi32, #tpu.memory_space<vmem>> -> memref<128x64xi32, #tpu.memory_space<vmem>>
        %dma_start3A_160 = tpu.memref_slice %arg7[%multiple_of3A_145] : memref<10000xi32, #tpu.memory_space<vmem>> -> memref<128xi32, #tpu.memory_space<vmem>>
        %dma_start3A_161 = arith.constant 0 : i32
        %dma_start3A_162 = arith.constant 0 : i32
        %dma_start3A_163 = tpu.memref_slice %arg2[%dma_start3A_161, %dma_start3A_162] : memref<10000x64xi32, #tpu.memory_space<hbm>> -> memref<10000x64xi32, #tpu.memory_space<hbm>>
        %dma_start3A_164 = tpu.memref_slice %arg11[%and3A_106] : memref<4x!tpu.dma_semaphore, #tpu.memory_space<semaphore_mem>> -> memref<1x!tpu.dma_semaphore, #tpu.memory_space<semaphore_mem>>
        %dma_start3A_165 = tpu.memref_squeeze %dma_start3A_164 : memref<1x!tpu.dma_semaphore, #tpu.memory_space<semaphore_mem>> -> memref<!tpu.dma_semaphore, #tpu.memory_space<semaphore_mem>>
        tpu.enqueue_indirect_dma source(%dma_start3A_163 : memref<10000x64xi32, #tpu.memory_space<hbm>>) target(%dma_start3A_159 : memref<128x64xi32, #tpu.memory_space<vmem>>) offsets(%dma_start3A_160 : memref<128xi32, #tpu.memory_space<vmem>>) semaphore(%dma_start3A_165 : memref<!tpu.dma_semaphore, #tpu.memory_space<semaphore_mem>>)
      } else {
      }
      %dma_wait3A = arith.constant 0 : i32
      %dma_wait3A_111 = arith.constant 0 : i32
      %dma_wait3A_112 = tpu.memref_slice %arg8[%and3A_102, %dma_wait3A, %dma_wait3A_111] : memref<4x128x64xi32, #tpu.memory_space<vmem>> -> memref<1x128x64xi32, #tpu.memory_space<vmem>>
      %dma_wait3A_113 = tpu.memref_squeeze %dma_wait3A_112 : memref<1x128x64xi32, #tpu.memory_space<vmem>> -> memref<128x64xi32, #tpu.memory_space<vmem>>
      %dma_wait3A_114 = arith.constant 0 : i32
      %dma_wait3A_115 = tpu.memref_slice %arg6[%dma_wait3A_114] : memref<10000xi32, #tpu.memory_space<vmem>> -> memref<128xi32, #tpu.memory_space<vmem>>
      %dma_wait3A_116 = arith.constant 0 : i32
      %dma_wait3A_117 = arith.constant 0 : i32
      %dma_wait3A_118 = tpu.memref_slice %arg2[%dma_wait3A_116, %dma_wait3A_117] : memref<10000x64xi32, #tpu.memory_space<hbm>> -> memref<10000x64xi32, #tpu.memory_space<hbm>>
      %dma_wait3A_119 = tpu.memref_slice %arg11[%and3A_102] : memref<4x!tpu.dma_semaphore, #tpu.memory_space<semaphore_mem>> -> memref<1x!tpu.dma_semaphore, #tpu.memory_space<semaphore_mem>>
      %dma_wait3A_120 = tpu.memref_squeeze %dma_wait3A_119 : memref<1x!tpu.dma_semaphore, #tpu.memory_space<semaphore_mem>> -> memref<!tpu.dma_semaphore, #tpu.memory_space<semaphore_mem>>
      tpu.wait_indirect_dma semaphore(%dma_wait3A_120 : memref<!tpu.dma_semaphore, #tpu.memory_space<semaphore_mem>>) src(%dma_wait3A_118 : memref<10000x64xi32, #tpu.memory_space<hbm>>) dst(%dma_wait3A_113 : memref<128x64xi32, #tpu.memory_space<vmem>>)
      %dma_wait3A_121 = arith.constant 0 : i32
      %dma_wait3A_122 = arith.constant 0 : i32
      %dma_wait3A_123 = tpu.memref_slice %arg9[%and3A_102, %dma_wait3A_121, %dma_wait3A_122] : memref<4x128x64xi32, #tpu.memory_space<vmem>> -> memref<1x128x64xi32, #tpu.memory_space<vmem>>
      %dma_wait3A_124 = tpu.memref_squeeze %dma_wait3A_123 : memref<1x128x64xi32, #tpu.memory_space<vmem>> -> memref<128x64xi32, #tpu.memory_space<vmem>>
      %dma_wait3A_125 = arith.constant 0 : i32
      %dma_wait3A_126 = tpu.memref_slice %arg7[%dma_wait3A_125] : memref<10000xi32, #tpu.memory_space<vmem>> -> memref<128xi32, #tpu.memory_space<vmem>>
      %dma_wait3A_127 = arith.constant 0 : i32
      %dma_wait3A_128 = arith.constant 0 : i32
      %dma_wait3A_129 = tpu.memref_slice %arg2[%dma_wait3A_127, %dma_wait3A_128] : memref<10000x64xi32, #tpu.memory_space<hbm>> -> memref<10000x64xi32, #tpu.memory_space<hbm>>
      %dma_wait3A_130 = tpu.memref_slice %arg11[%and3A_102] : memref<4x!tpu.dma_semaphore, #tpu.memory_space<semaphore_mem>> -> memref<1x!tpu.dma_semaphore, #tpu.memory_space<semaphore_mem>>
      %dma_wait3A_131 = tpu.memref_squeeze %dma_wait3A_130 : memref<1x!tpu.dma_semaphore, #tpu.memory_space<semaphore_mem>> -> memref<!tpu.dma_semaphore, #tpu.memory_space<semaphore_mem>>
      tpu.wait_indirect_dma semaphore(%dma_wait3A_131 : memref<!tpu.dma_semaphore, #tpu.memory_space<semaphore_mem>>) src(%dma_wait3A_129 : memref<10000x64xi32, #tpu.memory_space<hbm>>) dst(%dma_wait3A_124 : memref<128x64xi32, #tpu.memory_space<vmem>>)
      %mul3A_132 = arith.constant 128 : i32
      %mul3A_133 = arith.muli %scan3A_101, %mul3A_132 : i32
      %min3A_134 = arith.constant 9872 : i32
      %min3A_135 = arith.minsi %mul3A_133, %min3A_134 : i32
      %multiple_of3A_136 = tpu.assume_multiple %min3A_135, 8 : i32
      %parallel_loop3A = arith.constant 0 : i32
      %parallel_loop3A_137 = arith.constant 8 : i32
      %parallel_loop3A_138 = arith.constant 1 : i32
      scf.for %parallel_loop3A_139 = %parallel_loop3A to %parallel_loop3A_137 step %parallel_loop3A_138  : i32 {
        %parallel_loop3A_140 = arith.constant 16 : i32
        %parallel_loop3A_141 = arith.muli %parallel_loop3A_139, %parallel_loop3A_140 : i32
        %parallel_loop3A_142 = arith.constant 0 : i32
        %parallel_loop3A_143 = arith.addi %parallel_loop3A_141, %parallel_loop3A_142 : i32
        %parallel_loop3A_144 = arith.index_cast %and3A_102 : i32 to index
        %parallel_loop3A_145 = arith.index_cast %parallel_loop3A_143 : i32 to index
        %parallel_loop3A_146 = arith.constant 0 : index
        %parallel_loop3A_147 = tpu.vector_load %arg8[%parallel_loop3A_144, %parallel_loop3A_145, %parallel_loop3A_146] {strides = array<i32>} : memref<4x128x64xi32, #tpu.memory_space<vmem>>, vector<16xi32>,
        %parallel_loop3A_148 = arith.index_cast %and3A_102 : i32 to index
        %parallel_loop3A_149 = arith.index_cast %parallel_loop3A_143 : i32 to index
        %parallel_loop3A_150 = arith.constant 16 : index
        %parallel_loop3A_151 = tpu.vector_load %arg8[%parallel_loop3A_148, %parallel_loop3A_149, %parallel_loop3A_150] {strides = array<i32>} : memref<4x128x64xi32, #tpu.memory_space<vmem>>, vector<16xi32>,
        %parallel_loop3A_152 = arith.index_cast %and3A_102 : i32 to index
        %parallel_loop3A_153 = arith.index_cast %parallel_loop3A_143 : i32 to index
        %parallel_loop3A_154 = arith.constant 32 : index
        %parallel_loop3A_155 = tpu.vector_load %arg8[%parallel_loop3A_152, %parallel_loop3A_153, %parallel_loop3A_154] {strides = array<i32>} : memref<4x128x64xi32, #tpu.memory_space<vmem>>, vector<16xi32>,
        %parallel_loop3A_156 = arith.index_cast %and3A_102 : i32 to index
        %parallel_loop3A_157 = arith.index_cast %parallel_loop3A_143 : i32 to index
        %parallel_loop3A_158 = arith.constant 48 : index
        %parallel_loop3A_159 = tpu.vector_load %arg8[%parallel_loop3A_156, %parallel_loop3A_157, %parallel_loop3A_158] {strides = array<i32>} : memref<4x128x64xi32, #tpu.memory_space<vmem>>, vector<16xi32>,
        %parallel_loop3A_160 = arith.index_cast %and3A_102 : i32 to index
        %parallel_loop3A_161 = arith.index_cast %parallel_loop3A_143 : i32 to index
        %parallel_loop3A_162 = arith.constant 0 : index
        %parallel_loop3A_163 = tpu.vector_load %arg9[%parallel_loop3A_160, %parallel_loop3A_161, %parallel_loop3A_162] {strides = array<i32>} : memref<4x128x64xi32, #tpu.memory_space<vmem>>, vector<16xi32>,
        %parallel_loop3A_164 = arith.index_cast %and3A_102 : i32 to index
        %parallel_loop3A_165 = arith.index_cast %parallel_loop3A_143 : i32 to index
        %parallel_loop3A_166 = arith.constant 16 : index
        %parallel_loop3A_167 = tpu.vector_load %arg9[%parallel_loop3A_164, %parallel_loop3A_165, %parallel_loop3A_166] {strides = array<i32>} : memref<4x128x64xi32, #tpu.memory_space<vmem>>, vector<16xi32>,
        %parallel_loop3A_168 = arith.index_cast %and3A_102 : i32 to index
        %parallel_loop3A_169 = arith.index_cast %parallel_loop3A_143 : i32 to index
        %parallel_loop3A_170 = arith.constant 32 : index
        %parallel_loop3A_171 = tpu.vector_load %arg9[%parallel_loop3A_168, %parallel_loop3A_169, %parallel_loop3A_170] {strides = array<i32>} : memref<4x128x64xi32, #tpu.memory_space<vmem>>, vector<16xi32>,
        %parallel_loop3A_172 = arith.index_cast %and3A_102 : i32 to index
        %parallel_loop3A_173 = arith.index_cast %parallel_loop3A_143 : i32 to index
        %parallel_loop3A_174 = arith.constant 48 : index
        %parallel_loop3A_175 = tpu.vector_load %arg9[%parallel_loop3A_172, %parallel_loop3A_173, %parallel_loop3A_174] {strides = array<i32>} : memref<4x128x64xi32, #tpu.memory_space<vmem>>, vector<16xi32>,
        %parallel_loop3A_176 = vector.bitcast %parallel_loop3A_147 : vector<16xi32> to vector<32xbf16>
        %parallel_loop3A_177 = vector.bitcast %parallel_loop3A_163 : vector<16xi32> to vector<32xbf16>
        %parallel_loop3A_178 = arith.mulf %parallel_loop3A_176, %parallel_loop3A_177 : vector<32xbf16>
        %parallel_loop3A_179 = tpu.unpack_subelements %parallel_loop3A_178, 0 {pack_format = #tpu.pack_format<interleaved>} : vector<32xbf16> -> vector<16xf32>
        %parallel_loop3A_180 = tpu.unpack_subelements %parallel_loop3A_178, 1 {pack_format = #tpu.pack_format<interleaved>} : vector<32xbf16> -> vector<16xf32>
        %parallel_loop3A_181 = vector.bitcast %parallel_loop3A_151 : vector<16xi32> to vector<32xbf16>
        %parallel_loop3A_182 = vector.bitcast %parallel_loop3A_167 : vector<16xi32> to vector<32xbf16>
        %parallel_loop3A_183 = arith.mulf %parallel_loop3A_181, %parallel_loop3A_182 : vector<32xbf16>
        %parallel_loop3A_184 = tpu.unpack_subelements %parallel_loop3A_183, 0 {pack_format = #tpu.pack_format<interleaved>} : vector<32xbf16> -> vector<16xf32>
        %parallel_loop3A_185 = tpu.unpack_subelements %parallel_loop3A_183, 1 {pack_format = #tpu.pack_format<interleaved>} : vector<32xbf16> -> vector<16xf32>
        %parallel_loop3A_186 = vector.bitcast %parallel_loop3A_155 : vector<16xi32> to vector<32xbf16>
        %parallel_loop3A_187 = vector.bitcast %parallel_loop3A_171 : vector<16xi32> to vector<32xbf16>
        %parallel_loop3A_188 = arith.mulf %parallel_loop3A_186, %parallel_loop3A_187 : vector<32xbf16>
        %parallel_loop3A_189 = tpu.unpack_subelements %parallel_loop3A_188, 0 {pack_format = #tpu.pack_format<interleaved>} : vector<32xbf16> -> vector<16xf32>
        %parallel_loop3A_190 = tpu.unpack_subelements %parallel_loop3A_188, 1 {pack_format = #tpu.pack_format<interleaved>} : vector<32xbf16> -> vector<16xf32>
        %parallel_loop3A_191 = vector.bitcast %parallel_loop3A_159 : vector<16xi32> to vector<32xbf16>
        %parallel_loop3A_192 = vector.bitcast %parallel_loop3A_175 : vector<16xi32> to vector<32xbf16>
        %parallel_loop3A_193 = arith.mulf %parallel_loop3A_191, %parallel_loop3A_192 : vector<32xbf16>
        %parallel_loop3A_194 = tpu.unpack_subelements %parallel_loop3A_193, 0 {pack_format = #tpu.pack_format<interleaved>} : vector<32xbf16> -> vector<16xf32>
        %parallel_loop3A_195 = tpu.unpack_subelements %parallel_loop3A_193, 1 {pack_format = #tpu.pack_format<interleaved>} : vector<32xbf16> -> vector<16xf32>
        %parallel_loop3A_196 = arith.addf %parallel_loop3A_179, %parallel_loop3A_180 : vector<16xf32>
        %parallel_loop3A_197 = arith.addf %parallel_loop3A_184, %parallel_loop3A_185 : vector<16xf32>
        %parallel_loop3A_198 = arith.addf %parallel_loop3A_189, %parallel_loop3A_190 : vector<16xf32>
        %parallel_loop3A_199 = arith.addf %parallel_loop3A_194, %parallel_loop3A_195 : vector<16xf32>
        %parallel_loop3A_200 = arith.addf %parallel_loop3A_196, %parallel_loop3A_197 : vector<16xf32>
        %parallel_loop3A_201 = arith.addf %parallel_loop3A_198, %parallel_loop3A_199 : vector<16xf32>
        %parallel_loop3A_202 = arith.addf %parallel_loop3A_200, %parallel_loop3A_201 : vector<16xf32>
        %parallel_loop3A_203 = arith.constant 1 : i32
        %parallel_loop3A_204 = arith.addi %parallel_loop3A_141, %parallel_loop3A_203 : i32
        %parallel_loop3A_205 = arith.index_cast %and3A_102 : i32 to index
        %parallel_loop3A_206 = arith.index_cast %parallel_loop3A_204 : i32 to index
        %parallel_loop3A_207 = arith.constant 0 : index
        %parallel_loop3A_208 = tpu.vector_load %arg8[%parallel_loop3A_205, %parallel_loop3A_206, %parallel_loop3A_207] {strides = array<i32>} : memref<4x128x64xi32, #tpu.memory_space<vmem>>, vector<16xi32>,
        %parallel_loop3A_209 = arith.index_cast %and3A_102 : i32 to index
        %parallel_loop3A_210 = arith.index_cast %parallel_loop3A_204 : i32 to index
        %parallel_loop3A_211 = arith.constant 16 : index
        %parallel_loop3A_212 = tpu.vector_load %arg8[%parallel_loop3A_209, %parallel_loop3A_210, %parallel_loop3A_211] {strides = array<i32>} : memref<4x128x64xi32, #tpu.memory_space<vmem>>, vector<16xi32>,
        %parallel_loop3A_213 = arith.index_cast %and3A_102 : i32 to index
        %parallel_loop3A_214 = arith.index_cast %parallel_loop3A_204 : i32 to index
        %parallel_loop3A_215 = arith.constant 32 : index
        %parallel_loop3A_216 = tpu.vector_load %arg8[%parallel_loop3A_213, %parallel_loop3A_214, %parallel_loop3A_215] {strides = array<i32>} : memref<4x128x64xi32, #tpu.memory_space<vmem>>, vector<16xi32>,
        %parallel_loop3A_217 = arith.index_cast %and3A_102 : i32 to index
        %parallel_loop3A_218 = arith.index_cast %parallel_loop3A_204 : i32 to index
        %parallel_loop3A_219 = arith.constant 48 : index
        %parallel_loop3A_220 = tpu.vector_load %arg8[%parallel_loop3A_217, %parallel_loop3A_218, %parallel_loop3A_219] {strides = array<i32>} : memref<4x128x64xi32, #tpu.memory_space<vmem>>, vector<16xi32>,
        %parallel_loop3A_221 = arith.index_cast %and3A_102 : i32 to index
        %parallel_loop3A_222 = arith.index_cast %parallel_loop3A_204 : i32 to index
        %parallel_loop3A_223 = arith.constant 0 : index
        %parallel_loop3A_224 = tpu.vector_load %arg9[%parallel_loop3A_221, %parallel_loop3A_222, %parallel_loop3A_223] {strides = array<i32>} : memref<4x128x64xi32, #tpu.memory_space<vmem>>, vector<16xi32>,
        %parallel_loop3A_225 = arith.index_cast %and3A_102 : i32 to index
        %parallel_loop3A_226 = arith.index_cast %parallel_loop3A_204 : i32 to index
        %parallel_loop3A_227 = arith.constant 16 : index
        %parallel_loop3A_228 = tpu.vector_load %arg9[%parallel_loop3A_225, %parallel_loop3A_226, %parallel_loop3A_227] {strides = array<i32>} : memref<4x128x64xi32, #tpu.memory_space<vmem>>, vector<16xi32>,
        %parallel_loop3A_229 = arith.index_cast %and3A_102 : i32 to index
        %parallel_loop3A_230 = arith.index_cast %parallel_loop3A_204 : i32 to index
        %parallel_loop3A_231 = arith.constant 32 : index
        %parallel_loop3A_232 = tpu.vector_load %arg9[%parallel_loop3A_229, %parallel_loop3A_230, %parallel_loop3A_231] {strides = array<i32>} : memref<4x128x64xi32, #tpu.memory_space<vmem>>, vector<16xi32>,
        %parallel_loop3A_233 = arith.index_cast %and3A_102 : i32 to index
        %parallel_loop3A_234 = arith.index_cast %parallel_loop3A_204 : i32 to index
        %parallel_loop3A_235 = arith.constant 48 : index
        %parallel_loop3A_236 = tpu.vector_load %arg9[%parallel_loop3A_233, %parallel_loop3A_234, %parallel_loop3A_235] {strides = array<i32>} : memref<4x128x64xi32, #tpu.memory_space<vmem>>, vector<16xi32>,
        %parallel_loop3A_237 = vector.bitcast %parallel_loop3A_208 : vector<16xi32> to vector<32xbf16>
        %parallel_loop3A_238 = vector.bitcast %parallel_loop3A_224 : vector<16xi32> to vector<32xbf16>
        %parallel_loop3A_239 = arith.mulf %parallel_loop3A_237, %parallel_loop3A_238 : vector<32xbf16>
        %parallel_loop3A_240 = tpu.unpack_subelements %parallel_loop3A_239, 0 {pack_format = #tpu.pack_format<interleaved>} : vector<32xbf16> -> vector<16xf32>
        %parallel_loop3A_241 = tpu.unpack_subelements %parallel_loop3A_239, 1 {pack_format = #tpu.pack_format<interleaved>} : vector<32xbf16> -> vector<16xf32>
        %parallel_loop3A_242 = vector.bitcast %parallel_loop3A_212 : vector<16xi32> to vector<32xbf16>
        %parallel_loop3A_243 = vector.bitcast %parallel_loop3A_228 : vector<16xi32> to vector<32xbf16>
        %parallel_loop3A_244 = arith.mulf %parallel_loop3A_242, %parallel_loop3A_243 : vector<32xbf16>
        %parallel_loop3A_245 = tpu.unpack_subelements %parallel_loop3A_244, 0 {pack_format = #tpu.pack_format<interleaved>} : vector<32xbf16> -> vector<16xf32>
        %parallel_loop3A_246 = tpu.unpack_subelements %parallel_loop3A_244, 1 {pack_format = #tpu.pack_format<interleaved>} : vector<32xbf16> -> vector<16xf32>
        %parallel_loop3A_247 = vector.bitcast %parallel_loop3A_216 : vector<16xi32> to vector<32xbf16>
        %parallel_loop3A_248 = vector.bitcast %parallel_loop3A_232 : vector<16xi32> to vector<32xbf16>
        %parallel_loop3A_249 = arith.mulf %parallel_loop3A_247, %parallel_loop3A_248 : vector<32xbf16>
        %parallel_loop3A_250 = tpu.unpack_subelements %parallel_loop3A_249, 0 {pack_format = #tpu.pack_format<interleaved>} : vector<32xbf16> -> vector<16xf32>
        %parallel_loop3A_251 = tpu.unpack_subelements %parallel_loop3A_249, 1 {pack_format = #tpu.pack_format<interleaved>} : vector<32xbf16> -> vector<16xf32>
        %parallel_loop3A_252 = vector.bitcast %parallel_loop3A_220 : vector<16xi32> to vector<32xbf16>
        %parallel_loop3A_253 = vector.bitcast %parallel_loop3A_236 : vector<16xi32> to vector<32xbf16>
        %parallel_loop3A_254 = arith.mulf %parallel_loop3A_252, %parallel_loop3A_253 : vector<32xbf16>
        %parallel_loop3A_255 = tpu.unpack_subelements %parallel_loop3A_254, 0 {pack_format = #tpu.pack_format<interleaved>} : vector<32xbf16> -> vector<16xf32>
        %parallel_loop3A_256 = tpu.unpack_subelements %parallel_loop3A_254, 1 {pack_format = #tpu.pack_format<interleaved>} : vector<32xbf16> -> vector<16xf32>
        %parallel_loop3A_257 = arith.addf %parallel_loop3A_240, %parallel_loop3A_241 : vector<16xf32>
        %parallel_loop3A_258 = arith.addf %parallel_loop3A_245, %parallel_loop3A_246 : vector<16xf32>
        %parallel_loop3A_259 = arith.addf %parallel_loop3A_250, %parallel_loop3A_251 : vector<16xf32>
        %parallel_loop3A_260 = arith.addf %parallel_loop3A_255, %parallel_loop3A_256 : vector<16xf32>
        %parallel_loop3A_261 = arith.addf %parallel_loop3A_257, %parallel_loop3A_258 : vector<16xf32>
        %parallel_loop3A_262 = arith.addf %parallel_loop3A_259, %parallel_loop3A_260 : vector<16xf32>
        %parallel_loop3A_263 = arith.addf %parallel_loop3A_261, %parallel_loop3A_262 : vector<16xf32>
        %parallel_loop3A_264 = arith.constant 2 : i32
        %parallel_loop3A_265 = arith.addi %parallel_loop3A_141, %parallel_loop3A_264 : i32
        %parallel_loop3A_266 = arith.index_cast %and3A_102 : i32 to index
        %parallel_loop3A_267 = arith.index_cast %parallel_loop3A_265 : i32 to index
        %parallel_loop3A_268 = arith.constant 0 : index
        %parallel_loop3A_269 = tpu.vector_load %arg8[%parallel_loop3A_266, %parallel_loop3A_267, %parallel_loop3A_268] {strides = array<i32>} : memref<4x128x64xi32, #tpu.memory_space<vmem>>, vector<16xi32>,
        %parallel_loop3A_270 = arith.index_cast %and3A_102 : i32 to index
        %parallel_loop3A_271 = arith.index_cast %parallel_loop3A_265 : i32 to index
        %parallel_loop3A_272 = arith.constant 16 : index
        %parallel_loop3A_273 = tpu.vector_load %arg8[%parallel_loop3A_270, %parallel_loop3A_271, %parallel_loop3A_272] {strides = array<i32>} : memref<4x128x64xi32, #tpu.memory_space<vmem>>, vector<16xi32>,
        %parallel_loop3A_274 = arith.index_cast %and3A_102 : i32 to index
        %parallel_loop3A_275 = arith.index_cast %parallel_loop3A_265 : i32 to index
        %parallel_loop3A_276 = arith.constant 32 : index
        %parallel_loop3A_277 = tpu.vector_load %arg8[%parallel_loop3A_274, %parallel_loop3A_275, %parallel_loop3A_276] {strides = array<i32>} : memref<4x128x64xi32, #tpu.memory_space<vmem>>, vector<16xi32>,
        %parallel_loop3A_278 = arith.index_cast %and3A_102 : i32 to index
        %parallel_loop3A_279 = arith.index_cast %parallel_loop3A_265 : i32 to index
        %parallel_loop3A_280 = arith.constant 48 : index
        %parallel_loop3A_281 = tpu.vector_load %arg8[%parallel_loop3A_278, %parallel_loop3A_279, %parallel_loop3A_280] {strides = array<i32>} : memref<4x128x64xi32, #tpu.memory_space<vmem>>, vector<16xi32>,
        %parallel_loop3A_282 = arith.index_cast %and3A_102 : i32 to index
        %parallel_loop3A_283 = arith.index_cast %parallel_loop3A_265 : i32 to index
        %parallel_loop3A_284 = arith.constant 0 : index
        %parallel_loop3A_285 = tpu.vector_load %arg9[%parallel_loop3A_282, %parallel_loop3A_283, %parallel_loop3A_284] {strides = array<i32>} : memref<4x128x64xi32, #tpu.memory_space<vmem>>, vector<16xi32>,
        %parallel_loop3A_286 = arith.index_cast %and3A_102 : i32 to index
        %parallel_loop3A_287 = arith.index_cast %parallel_loop3A_265 : i32 to index
        %parallel_loop3A_288 = arith.constant 16 : index
        %parallel_loop3A_289 = tpu.vector_load %arg9[%parallel_loop3A_286, %parallel_loop3A_287, %parallel_loop3A_288] {strides = array<i32>} : memref<4x128x64xi32, #tpu.memory_space<vmem>>, vector<16xi32>,
        %parallel_loop3A_290 = arith.index_cast %and3A_102 : i32 to index
        %parallel_loop3A_291 = arith.index_cast %parallel_loop3A_265 : i32 to index
        %parallel_loop3A_292 = arith.constant 32 : index
        %parallel_loop3A_293 = tpu.vector_load %arg9[%parallel_loop3A_290, %parallel_loop3A_291, %parallel_loop3A_292] {strides = array<i32>} : memref<4x128x64xi32, #tpu.memory_space<vmem>>, vector<16xi32>,
        %parallel_loop3A_294 = arith.index_cast %and3A_102 : i32 to index
        %parallel_loop3A_295 = arith.index_cast %parallel_loop3A_265 : i32 to index
        %parallel_loop3A_296 = arith.constant 48 : index
        %parallel_loop3A_297 = tpu.vector_load %arg9[%parallel_loop3A_294, %parallel_loop3A_295, %parallel_loop3A_296] {strides = array<i32>} : memref<4x128x64xi32, #tpu.memory_space<vmem>>, vector<16xi32>,
        %parallel_loop3A_298 = vector.bitcast %parallel_loop3A_269 : vector<16xi32> to vector<32xbf16>
        %parallel_loop3A_299 = vector.bitcast %parallel_loop3A_285 : vector<16xi32> to vector<32xbf16>
        %parallel_loop3A_300 = arith.mulf %parallel_loop3A_298, %parallel_loop3A_299 : vector<32xbf16>
        %parallel_loop3A_301 = tpu.unpack_subelements %parallel_loop3A_300, 0 {pack_format = #tpu.pack_format<interleaved>} : vector<32xbf16> -> vector<16xf32>
        %parallel_loop3A_302 = tpu.unpack_subelements %parallel_loop3A_300, 1 {pack_format = #tpu.pack_format<interleaved>} : vector<32xbf16> -> vector<16xf32>
        %parallel_loop3A_303 = vector.bitcast %parallel_loop3A_273 : vector<16xi32> to vector<32xbf16>
        %parallel_loop3A_304 = vector.bitcast %parallel_loop3A_289 : vector<16xi32> to vector<32xbf16>
        %parallel_loop3A_305 = arith.mulf %parallel_loop3A_303, %parallel_loop3A_304 : vector<32xbf16>
        %parallel_loop3A_306 = tpu.unpack_subelements %parallel_loop3A_305, 0 {pack_format = #tpu.pack_format<interleaved>} : vector<32xbf16> -> vector<16xf32>
        %parallel_loop3A_307 = tpu.unpack_subelements %parallel_loop3A_305, 1 {pack_format = #tpu.pack_format<interleaved>} : vector<32xbf16> -> vector<16xf32>
        %parallel_loop3A_308 = vector.bitcast %parallel_loop3A_277 : vector<16xi32> to vector<32xbf16>
        %parallel_loop3A_309 = vector.bitcast %parallel_loop3A_293 : vector<16xi32> to vector<32xbf16>
        %parallel_loop3A_310 = arith.mulf %parallel_loop3A_308, %parallel_loop3A_309 : vector<32xbf16>
        %parallel_loop3A_311 = tpu.unpack_subelements %parallel_loop3A_310, 0 {pack_format = #tpu.pack_format<interleaved>} : vector<32xbf16> -> vector<16xf32>
        %parallel_loop3A_312 = tpu.unpack_subelements %parallel_loop3A_310, 1 {pack_format = #tpu.pack_format<interleaved>} : vector<32xbf16> -> vector<16xf32>
        %parallel_loop3A_313 = vector.bitcast %parallel_loop3A_281 : vector<16xi32> to vector<32xbf16>
        %parallel_loop3A_314 = vector.bitcast %parallel_loop3A_297 : vector<16xi32> to vector<32xbf16>
        %parallel_loop3A_315 = arith.mulf %parallel_loop3A_313, %parallel_loop3A_314 : vector<32xbf16>
        %parallel_loop3A_316 = tpu.unpack_subelements %parallel_loop3A_315, 0 {pack_format = #tpu.pack_format<interleaved>} : vector<32xbf16> -> vector<16xf32>
        %parallel_loop3A_317 = tpu.unpack_subelements %parallel_loop3A_315, 1 {pack_format = #tpu.pack_format<interleaved>} : vector<32xbf16> -> vector<16xf32>
        %parallel_loop3A_318 = arith.addf %parallel_loop3A_301, %parallel_loop3A_302 : vector<16xf32>
        %parallel_loop3A_319 = arith.addf %parallel_loop3A_306, %parallel_loop3A_307 : vector<16xf32>
        %parallel_loop3A_320 = arith.addf %parallel_loop3A_311, %parallel_loop3A_312 : vector<16xf32>
        %parallel_loop3A_321 = arith.addf %parallel_loop3A_316, %parallel_loop3A_317 : vector<16xf32>
        %parallel_loop3A_322 = arith.addf %parallel_loop3A_318, %parallel_loop3A_319 : vector<16xf32>
        %parallel_loop3A_323 = arith.addf %parallel_loop3A_320, %parallel_loop3A_321 : vector<16xf32>
        %parallel_loop3A_324 = arith.addf %parallel_loop3A_322, %parallel_loop3A_323 : vector<16xf32>
        %parallel_loop3A_325 = arith.constant 3 : i32
        %parallel_loop3A_326 = arith.addi %parallel_loop3A_141, %parallel_loop3A_325 : i32
        %parallel_loop3A_327 = arith.index_cast %and3A_102 : i32 to index
        %parallel_loop3A_328 = arith.index_cast %parallel_loop3A_326 : i32 to index
        %parallel_loop3A_329 = arith.constant 0 : index
        %parallel_loop3A_330 = tpu.vector_load %arg8[%parallel_loop3A_327, %parallel_loop3A_328, %parallel_loop3A_329] {strides = array<i32>} : memref<4x128x64xi32, #tpu.memory_space<vmem>>, vector<16xi32>,
        %parallel_loop3A_331 = arith.index_cast %and3A_102 : i32 to index
        %parallel_loop3A_332 = arith.index_cast %parallel_loop3A_326 : i32 to index
        %parallel_loop3A_333 = arith.constant 16 : index
        %parallel_loop3A_334 = tpu.vector_load %arg8[%parallel_loop3A_331, %parallel_loop3A_332, %parallel_loop3A_333] {strides = array<i32>} : memref<4x128x64xi32, #tpu.memory_space<vmem>>, vector<16xi32>,
        %parallel_loop3A_335 = arith.index_cast %and3A_102 : i32 to index
        %parallel_loop3A_336 = arith.index_cast %parallel_loop3A_326 : i32 to index
        %parallel_loop3A_337 = arith.constant 32 : index
        %parallel_loop3A_338 = tpu.vector_load %arg8[%parallel_loop3A_335, %parallel_loop3A_336, %parallel_loop3A_337] {strides = array<i32>} : memref<4x128x64xi32, #tpu.memory_space<vmem>>, vector<16xi32>,
        %parallel_loop3A_339 = arith.index_cast %and3A_102 : i32 to index
        %parallel_loop3A_340 = arith.index_cast %parallel_loop3A_326 : i32 to index
        %parallel_loop3A_341 = arith.constant 48 : index
        %parallel_loop3A_342 = tpu.vector_load %arg8[%parallel_loop3A_339, %parallel_loop3A_340, %parallel_loop3A_341] {strides = array<i32>} : memref<4x128x64xi32, #tpu.memory_space<vmem>>, vector<16xi32>,
        %parallel_loop3A_343 = arith.index_cast %and3A_102 : i32 to index
        %parallel_loop3A_344 = arith.index_cast %parallel_loop3A_326 : i32 to index
        %parallel_loop3A_345 = arith.constant 0 : index
        %parallel_loop3A_346 = tpu.vector_load %arg9[%parallel_loop3A_343, %parallel_loop3A_344, %parallel_loop3A_345] {strides = array<i32>} : memref<4x128x64xi32, #tpu.memory_space<vmem>>, vector<16xi32>,
        %parallel_loop3A_347 = arith.index_cast %and3A_102 : i32 to index
        %parallel_loop3A_348 = arith.index_cast %parallel_loop3A_326 : i32 to index
        %parallel_loop3A_349 = arith.constant 16 : index
        %parallel_loop3A_350 = tpu.vector_load %arg9[%parallel_loop3A_347, %parallel_loop3A_348, %parallel_loop3A_349] {strides = array<i32>} : memref<4x128x64xi32, #tpu.memory_space<vmem>>, vector<16xi32>,
        %parallel_loop3A_351 = arith.index_cast %and3A_102 : i32 to index
        %parallel_loop3A_352 = arith.index_cast %parallel_loop3A_326 : i32 to index
        %parallel_loop3A_353 = arith.constant 32 : index
        %parallel_loop3A_354 = tpu.vector_load %arg9[%parallel_loop3A_351, %parallel_loop3A_352, %parallel_loop3A_353] {strides = array<i32>} : memref<4x128x64xi32, #tpu.memory_space<vmem>>, vector<16xi32>,
        %parallel_loop3A_355 = arith.index_cast %and3A_102 : i32 to index
        %parallel_loop3A_356 = arith.index_cast %parallel_loop3A_326 : i32 to index
        %parallel_loop3A_357 = arith.constant 48 : index
        %parallel_loop3A_358 = tpu.vector_load %arg9[%parallel_loop3A_355, %parallel_loop3A_356, %parallel_loop3A_357] {strides = array<i32>} : memref<4x128x64xi32, #tpu.memory_space<vmem>>, vector<16xi32>,
        %parallel_loop3A_359 = vector.bitcast %parallel_loop3A_330 : vector<16xi32> to vector<32xbf16>
        %parallel_loop3A_360 = vector.bitcast %parallel_loop3A_346 : vector<16xi32> to vector<32xbf16>
        %parallel_loop3A_361 = arith.mulf %parallel_loop3A_359, %parallel_loop3A_360 : vector<32xbf16>
        %parallel_loop3A_362 = tpu.unpack_subelements %parallel_loop3A_361, 0 {pack_format = #tpu.pack_format<interleaved>} : vector<32xbf16> -> vector<16xf32>
        %parallel_loop3A_363 = tpu.unpack_subelements %parallel_loop3A_361, 1 {pack_format = #tpu.pack_format<interleaved>} : vector<32xbf16> -> vector<16xf32>
        %parallel_loop3A_364 = vector.bitcast %parallel_loop3A_334 : vector<16xi32> to vector<32xbf16>
        %parallel_loop3A_365 = vector.bitcast %parallel_loop3A_350 : vector<16xi32> to vector<32xbf16>
        %parallel_loop3A_366 = arith.mulf %parallel_loop3A_364, %parallel_loop3A_365 : vector<32xbf16>
        %parallel_loop3A_367 = tpu.unpack_subelements %parallel_loop3A_366, 0 {pack_format = #tpu.pack_format<interleaved>} : vector<32xbf16> -> vector<16xf32>
        %parallel_loop3A_368 = tpu.unpack_subelements %parallel_loop3A_366, 1 {pack_format = #tpu.pack_format<interleaved>} : vector<32xbf16> -> vector<16xf32>
        %parallel_loop3A_369 = vector.bitcast %parallel_loop3A_338 : vector<16xi32> to vector<32xbf16>
        %parallel_loop3A_370 = vector.bitcast %parallel_loop3A_354 : vector<16xi32> to vector<32xbf16>
        %parallel_loop3A_371 = arith.mulf %parallel_loop3A_369, %parallel_loop3A_370 : vector<32xbf16>
        %parallel_loop3A_372 = tpu.unpack_subelements %parallel_loop3A_371, 0 {pack_format = #tpu.pack_format<interleaved>} : vector<32xbf16> -> vector<16xf32>
        %parallel_loop3A_373 = tpu.unpack_subelements %parallel_loop3A_371, 1 {pack_format = #tpu.pack_format<interleaved>} : vector<32xbf16> -> vector<16xf32>
        %parallel_loop3A_374 = vector.bitcast %parallel_loop3A_342 : vector<16xi32> to vector<32xbf16>
        %parallel_loop3A_375 = vector.bitcast %parallel_loop3A_358 : vector<16xi32> to vector<32xbf16>
        %parallel_loop3A_376 = arith.mulf %parallel_loop3A_374, %parallel_loop3A_375 : vector<32xbf16>
        %parallel_loop3A_377 = tpu.unpack_subelements %parallel_loop3A_376, 0 {pack_format = #tpu.pack_format<interleaved>} : vector<32xbf16> -> vector<16xf32>
        %parallel_loop3A_378 = tpu.unpack_subelements %parallel_loop3A_376, 1 {pack_format = #tpu.pack_format<interleaved>} : vector<32xbf16> -> vector<16xf32>
        %parallel_loop3A_379 = arith.addf %parallel_loop3A_362, %parallel_loop3A_363 : vector<16xf32>
        %parallel_loop3A_380 = arith.addf %parallel_loop3A_367, %parallel_loop3A_368 : vector<16xf32>
        %parallel_loop3A_381 = arith.addf %parallel_loop3A_372, %parallel_loop3A_373 : vector<16xf32>
        %parallel_loop3A_382 = arith.addf %parallel_loop3A_377, %parallel_loop3A_378 : vector<16xf32>
        %parallel_loop3A_383 = arith.addf %parallel_loop3A_379, %parallel_loop3A_380 : vector<16xf32>
        %parallel_loop3A_384 = arith.addf %parallel_loop3A_381, %parallel_loop3A_382 : vector<16xf32>
        %parallel_loop3A_385 = arith.addf %parallel_loop3A_383, %parallel_loop3A_384 : vector<16xf32>
        %parallel_loop3A_386 = arith.constant 4 : i32
        %parallel_loop3A_387 = arith.addi %parallel_loop3A_141, %parallel_loop3A_386 : i32
        %parallel_loop3A_388 = arith.index_cast %and3A_102 : i32 to index
        %parallel_loop3A_389 = arith.index_cast %parallel_loop3A_387 : i32 to index
        %parallel_loop3A_390 = arith.constant 0 : index
        %parallel_loop3A_391 = tpu.vector_load %arg8[%parallel_loop3A_388, %parallel_loop3A_389, %parallel_loop3A_390] {strides = array<i32>} : memref<4x128x64xi32, #tpu.memory_space<vmem>>, vector<16xi32>,
        %parallel_loop3A_392 = arith.index_cast %and3A_102 : i32 to index
        %parallel_loop3A_393 = arith.index_cast %parallel_loop3A_387 : i32 to index
        %parallel_loop3A_394 = arith.constant 16 : index
        %parallel_loop3A_395 = tpu.vector_load %arg8[%parallel_loop3A_392, %parallel_loop3A_393, %parallel_loop3A_394] {strides = array<i32>} : memref<4x128x64xi32, #tpu.memory_space<vmem>>, vector<16xi32>,
        %parallel_loop3A_396 = arith.index_cast %and3A_102 : i32 to index
        %parallel_loop3A_397 = arith.index_cast %parallel_loop3A_387 : i32 to index
        %parallel_loop3A_398 = arith.constant 32 : index
        %parallel_loop3A_399 = tpu.vector_load %arg8[%parallel_loop3A_396, %parallel_loop3A_397, %parallel_loop3A_398] {strides = array<i32>} : memref<4x128x64xi32, #tpu.memory_space<vmem>>, vector<16xi32>,
        %parallel_loop3A_400 = arith.index_cast %and3A_102 : i32 to index
        %parallel_loop3A_401 = arith.index_cast %parallel_loop3A_387 : i32 to index
        %parallel_loop3A_402 = arith.constant 48 : index
        %parallel_loop3A_403 = tpu.vector_load %arg8[%parallel_loop3A_400, %parallel_loop3A_401, %parallel_loop3A_402] {strides = array<i32>} : memref<4x128x64xi32, #tpu.memory_space<vmem>>, vector<16xi32>,
        %parallel_loop3A_404 = arith.index_cast %and3A_102 : i32 to index
        %parallel_loop3A_405 = arith.index_cast %parallel_loop3A_387 : i32 to index
        %parallel_loop3A_406 = arith.constant 0 : index
        %parallel_loop3A_407 = tpu.vector_load %arg9[%parallel_loop3A_404, %parallel_loop3A_405, %parallel_loop3A_406] {strides = array<i32>} : memref<4x128x64xi32, #tpu.memory_space<vmem>>, vector<16xi32>,
        %parallel_loop3A_408 = arith.index_cast %and3A_102 : i32 to index
        %parallel_loop3A_409 = arith.index_cast %parallel_loop3A_387 : i32 to index
        %parallel_loop3A_410 = arith.constant 16 : index
        %parallel_loop3A_411 = tpu.vector_load %arg9[%parallel_loop3A_408, %parallel_loop3A_409, %parallel_loop3A_410] {strides = array<i32>} : memref<4x128x64xi32, #tpu.memory_space<vmem>>, vector<16xi32>,
        %parallel_loop3A_412 = arith.index_cast %and3A_102 : i32 to index
        %parallel_loop3A_413 = arith.index_cast %parallel_loop3A_387 : i32 to index
        %parallel_loop3A_414 = arith.constant 32 : index
        %parallel_loop3A_415 = tpu.vector_load %arg9[%parallel_loop3A_412, %parallel_loop3A_413, %parallel_loop3A_414] {strides = array<i32>} : memref<4x128x64xi32, #tpu.memory_space<vmem>>, vector<16xi32>,
        %parallel_loop3A_416 = arith.index_cast %and3A_102 : i32 to index
        %parallel_loop3A_417 = arith.index_cast %parallel_loop3A_387 : i32 to index
        %parallel_loop3A_418 = arith.constant 48 : index
        %parallel_loop3A_419 = tpu.vector_load %arg9[%parallel_loop3A_416, %parallel_loop3A_417, %parallel_loop3A_418] {strides = array<i32>} : memref<4x128x64xi32, #tpu.memory_space<vmem>>, vector<16xi32>,
        %parallel_loop3A_420 = vector.bitcast %parallel_loop3A_391 : vector<16xi32> to vector<32xbf16>
        %parallel_loop3A_421 = vector.bitcast %parallel_loop3A_407 : vector<16xi32> to vector<32xbf16>
        %parallel_loop3A_422 = arith.mulf %parallel_loop3A_420, %parallel_loop3A_421 : vector<32xbf16>
        %parallel_loop3A_423 = tpu.unpack_subelements %parallel_loop3A_422, 0 {pack_format = #tpu.pack_format<interleaved>} : vector<32xbf16> -> vector<16xf32>
        %parallel_loop3A_424 = tpu.unpack_subelements %parallel_loop3A_422, 1 {pack_format = #tpu.pack_format<interleaved>} : vector<32xbf16> -> vector<16xf32>
        %parallel_loop3A_425 = vector.bitcast %parallel_loop3A_395 : vector<16xi32> to vector<32xbf16>
        %parallel_loop3A_426 = vector.bitcast %parallel_loop3A_411 : vector<16xi32> to vector<32xbf16>
        %parallel_loop3A_427 = arith.mulf %parallel_loop3A_425, %parallel_loop3A_426 : vector<32xbf16>
        %parallel_loop3A_428 = tpu.unpack_subelements %parallel_loop3A_427, 0 {pack_format = #tpu.pack_format<interleaved>} : vector<32xbf16> -> vector<16xf32>
        %parallel_loop3A_429 = tpu.unpack_subelements %parallel_loop3A_427, 1 {pack_format = #tpu.pack_format<interleaved>} : vector<32xbf16> -> vector<16xf32>
        %parallel_loop3A_430 = vector.bitcast %parallel_loop3A_399 : vector<16xi32> to vector<32xbf16>
        %parallel_loop3A_431 = vector.bitcast %parallel_loop3A_415 : vector<16xi32> to vector<32xbf16>
        %parallel_loop3A_432 = arith.mulf %parallel_loop3A_430, %parallel_loop3A_431 : vector<32xbf16>
        %parallel_loop3A_433 = tpu.unpack_subelements %parallel_loop3A_432, 0 {pack_format = #tpu.pack_format<interleaved>} : vector<32xbf16> -> vector<16xf32>
        %parallel_loop3A_434 = tpu.unpack_subelements %parallel_loop3A_432, 1 {pack_format = #tpu.pack_format<interleaved>} : vector<32xbf16> -> vector<16xf32>
        %parallel_loop3A_435 = vector.bitcast %parallel_loop3A_403 : vector<16xi32> to vector<32xbf16>
        %parallel_loop3A_436 = vector.bitcast %parallel_loop3A_419 : vector<16xi32> to vector<32xbf16>
        %parallel_loop3A_437 = arith.mulf %parallel_loop3A_435, %parallel_loop3A_436 : vector<32xbf16>
        %parallel_loop3A_438 = tpu.unpack_subelements %parallel_loop3A_437, 0 {pack_format = #tpu.pack_format<interleaved>} : vector<32xbf16> -> vector<16xf32>
        %parallel_loop3A_439 = tpu.unpack_subelements %parallel_loop3A_437, 1 {pack_format = #tpu.pack_format<interleaved>} : vector<32xbf16> -> vector<16xf32>
        %parallel_loop3A_440 = arith.addf %parallel_loop3A_423, %parallel_loop3A_424 : vector<16xf32>
        %parallel_loop3A_441 = arith.addf %parallel_loop3A_428, %parallel_loop3A_429 : vector<16xf32>
        %parallel_loop3A_442 = arith.addf %parallel_loop3A_433, %parallel_loop3A_434 : vector<16xf32>
        %parallel_loop3A_443 = arith.addf %parallel_loop3A_438, %parallel_loop3A_439 : vector<16xf32>
        %parallel_loop3A_444 = arith.addf %parallel_loop3A_440, %parallel_loop3A_441 : vector<16xf32>
        %parallel_loop3A_445 = arith.addf %parallel_loop3A_442, %parallel_loop3A_443 : vector<16xf32>
        %parallel_loop3A_446 = arith.addf %parallel_loop3A_444, %parallel_loop3A_445 : vector<16xf32>
        %parallel_loop3A_447 = arith.constant 5 : i32
        %parallel_loop3A_448 = arith.addi %parallel_loop3A_141, %parallel_loop3A_447 : i32
        %parallel_loop3A_449 = arith.index_cast %and3A_102 : i32 to index
        %parallel_loop3A_450 = arith.index_cast %parallel_loop3A_448 : i32 to index
        %parallel_loop3A_451 = arith.constant 0 : index
        %parallel_loop3A_452 = tpu.vector_load %arg8[%parallel_loop3A_449, %parallel_loop3A_450, %parallel_loop3A_451] {strides = array<i32>} : memref<4x128x64xi32, #tpu.memory_space<vmem>>, vector<16xi32>,
        %parallel_loop3A_453 = arith.index_cast %and3A_102 : i32 to index
        %parallel_loop3A_454 = arith.index_cast %parallel_loop3A_448 : i32 to index
        %parallel_loop3A_455 = arith.constant 16 : index
        %parallel_loop3A_456 = tpu.vector_load %arg8[%parallel_loop3A_453, %parallel_loop3A_454, %parallel_loop3A_455] {strides = array<i32>} : memref<4x128x64xi32, #tpu.memory_space<vmem>>, vector<16xi32>,
        %parallel_loop3A_457 = arith.index_cast %and3A_102 : i32 to index
        %parallel_loop3A_458 = arith.index_cast %parallel_loop3A_448 : i32 to index
        %parallel_loop3A_459 = arith.constant 32 : index
        %parallel_loop3A_460 = tpu.vector_load %arg8[%parallel_loop3A_457, %parallel_loop3A_458, %parallel_loop3A_459] {strides = array<i32>} : memref<4x128x64xi32, #tpu.memory_space<vmem>>, vector<16xi32>,
        %parallel_loop3A_461 = arith.index_cast %and3A_102 : i32 to index
        %parallel_loop3A_462 = arith.index_cast %parallel_loop3A_448 : i32 to index
        %parallel_loop3A_463 = arith.constant 48 : index
        %parallel_loop3A_464 = tpu.vector_load %arg8[%parallel_loop3A_461, %parallel_loop3A_462, %parallel_loop3A_463] {strides = array<i32>} : memref<4x128x64xi32, #tpu.memory_space<vmem>>, vector<16xi32>,
        %parallel_loop3A_465 = arith.index_cast %and3A_102 : i32 to index
        %parallel_loop3A_466 = arith.index_cast %parallel_loop3A_448 : i32 to index
        %parallel_loop3A_467 = arith.constant 0 : index
        %parallel_loop3A_468 = tpu.vector_load %arg9[%parallel_loop3A_465, %parallel_loop3A_466, %parallel_loop3A_467] {strides = array<i32>} : memref<4x128x64xi32, #tpu.memory_space<vmem>>, vector<16xi32>,
        %parallel_loop3A_469 = arith.index_cast %and3A_102 : i32 to index
        %parallel_loop3A_470 = arith.index_cast %parallel_loop3A_448 : i32 to index
        %parallel_loop3A_471 = arith.constant 16 : index
        %parallel_loop3A_472 = tpu.vector_load %arg9[%parallel_loop3A_469, %parallel_loop3A_470, %parallel_loop3A_471] {strides = array<i32>} : memref<4x128x64xi32, #tpu.memory_space<vmem>>, vector<16xi32>,
        %parallel_loop3A_473 = arith.index_cast %and3A_102 : i32 to index
        %parallel_loop3A_474 = arith.index_cast %parallel_loop3A_448 : i32 to index
        %parallel_loop3A_475 = arith.constant 32 : index
        %parallel_loop3A_476 = tpu.vector_load %arg9[%parallel_loop3A_473, %parallel_loop3A_474, %parallel_loop3A_475] {strides = array<i32>} : memref<4x128x64xi32, #tpu.memory_space<vmem>>, vector<16xi32>,
        %parallel_loop3A_477 = arith.index_cast %and3A_102 : i32 to index
        %parallel_loop3A_478 = arith.index_cast %parallel_loop3A_448 : i32 to index
        %parallel_loop3A_479 = arith.constant 48 : index
        %parallel_loop3A_480 = tpu.vector_load %arg9[%parallel_loop3A_477, %parallel_loop3A_478, %parallel_loop3A_479] {strides = array<i32>} : memref<4x128x64xi32, #tpu.memory_space<vmem>>, vector<16xi32>,
        %parallel_loop3A_481 = vector.bitcast %parallel_loop3A_452 : vector<16xi32> to vector<32xbf16>
        %parallel_loop3A_482 = vector.bitcast %parallel_loop3A_468 : vector<16xi32> to vector<32xbf16>
        %parallel_loop3A_483 = arith.mulf %parallel_loop3A_481, %parallel_loop3A_482 : vector<32xbf16>
        %parallel_loop3A_484 = tpu.unpack_subelements %parallel_loop3A_483, 0 {pack_format = #tpu.pack_format<interleaved>} : vector<32xbf16> -> vector<16xf32>
        %parallel_loop3A_485 = tpu.unpack_subelements %parallel_loop3A_483, 1 {pack_format = #tpu.pack_format<interleaved>} : vector<32xbf16> -> vector<16xf32>
        %parallel_loop3A_486 = vector.bitcast %parallel_loop3A_456 : vector<16xi32> to vector<32xbf16>
        %parallel_loop3A_487 = vector.bitcast %parallel_loop3A_472 : vector<16xi32> to vector<32xbf16>
        %parallel_loop3A_488 = arith.mulf %parallel_loop3A_486, %parallel_loop3A_487 : vector<32xbf16>
        %parallel_loop3A_489 = tpu.unpack_subelements %parallel_loop3A_488, 0 {pack_format = #tpu.pack_format<interleaved>} : vector<32xbf16> -> vector<16xf32>
        %parallel_loop3A_490 = tpu.unpack_subelements %parallel_loop3A_488, 1 {pack_format = #tpu.pack_format<interleaved>} : vector<32xbf16> -> vector<16xf32>
        %parallel_loop3A_491 = vector.bitcast %parallel_loop3A_460 : vector<16xi32> to vector<32xbf16>
        %parallel_loop3A_492 = vector.bitcast %parallel_loop3A_476 : vector<16xi32> to vector<32xbf16>
        %parallel_loop3A_493 = arith.mulf %parallel_loop3A_491, %parallel_loop3A_492 : vector<32xbf16>
        %parallel_loop3A_494 = tpu.unpack_subelements %parallel_loop3A_493, 0 {pack_format = #tpu.pack_format<interleaved>} : vector<32xbf16> -> vector<16xf32>
        %parallel_loop3A_495 = tpu.unpack_subelements %parallel_loop3A_493, 1 {pack_format = #tpu.pack_format<interleaved>} : vector<32xbf16> -> vector<16xf32>
        %parallel_loop3A_496 = vector.bitcast %parallel_loop3A_464 : vector<16xi32> to vector<32xbf16>
        %parallel_loop3A_497 = vector.bitcast %parallel_loop3A_480 : vector<16xi32> to vector<32xbf16>
        %parallel_loop3A_498 = arith.mulf %parallel_loop3A_496, %parallel_loop3A_497 : vector<32xbf16>
        %parallel_loop3A_499 = tpu.unpack_subelements %parallel_loop3A_498, 0 {pack_format = #tpu.pack_format<interleaved>} : vector<32xbf16> -> vector<16xf32>
        %parallel_loop3A_500 = tpu.unpack_subelements %parallel_loop3A_498, 1 {pack_format = #tpu.pack_format<interleaved>} : vector<32xbf16> -> vector<16xf32>
        %parallel_loop3A_501 = arith.addf %parallel_loop3A_484, %parallel_loop3A_485 : vector<16xf32>
        %parallel_loop3A_502 = arith.addf %parallel_loop3A_489, %parallel_loop3A_490 : vector<16xf32>
        %parallel_loop3A_503 = arith.addf %parallel_loop3A_494, %parallel_loop3A_495 : vector<16xf32>
        %parallel_loop3A_504 = arith.addf %parallel_loop3A_499, %parallel_loop3A_500 : vector<16xf32>
        %parallel_loop3A_505 = arith.addf %parallel_loop3A_501, %parallel_loop3A_502 : vector<16xf32>
        %parallel_loop3A_506 = arith.addf %parallel_loop3A_503, %parallel_loop3A_504 : vector<16xf32>
        %parallel_loop3A_507 = arith.addf %parallel_loop3A_505, %parallel_loop3A_506 : vector<16xf32>
        %parallel_loop3A_508 = arith.constant 6 : i32
        %parallel_loop3A_509 = arith.addi %parallel_loop3A_141, %parallel_loop3A_508 : i32
        %parallel_loop3A_510 = arith.index_cast %and3A_102 : i32 to index
        %parallel_loop3A_511 = arith.index_cast %parallel_loop3A_509 : i32 to index
        %parallel_loop3A_512 = arith.constant 0 : index
        %parallel_loop3A_513 = tpu.vector_load %arg8[%parallel_loop3A_510, %parallel_loop3A_511, %parallel_loop3A_512] {strides = array<i32>} : memref<4x128x64xi32, #tpu.memory_space<vmem>>, vector<16xi32>,
        %parallel_loop3A_514 = arith.index_cast %and3A_102 : i32 to index
        %parallel_loop3A_515 = arith.index_cast %parallel_loop3A_509 : i32 to index
        %parallel_loop3A_516 = arith.constant 16 : index
        %parallel_loop3A_517 = tpu.vector_load %arg8[%parallel_loop3A_514, %parallel_loop3A_515, %parallel_loop3A_516] {strides = array<i32>} : memref<4x128x64xi32, #tpu.memory_space<vmem>>, vector<16xi32>,
        %parallel_loop3A_518 = arith.index_cast %and3A_102 : i32 to index
        %parallel_loop3A_519 = arith.index_cast %parallel_loop3A_509 : i32 to index
        %parallel_loop3A_520 = arith.constant 32 : index
        %parallel_loop3A_521 = tpu.vector_load %arg8[%parallel_loop3A_518, %parallel_loop3A_519, %parallel_loop3A_520] {strides = array<i32>} : memref<4x128x64xi32, #tpu.memory_space<vmem>>, vector<16xi32>,
        %parallel_loop3A_522 = arith.index_cast %and3A_102 : i32 to index
        %parallel_loop3A_523 = arith.index_cast %parallel_loop3A_509 : i32 to index
        %parallel_loop3A_524 = arith.constant 48 : index
        %parallel_loop3A_525 = tpu.vector_load %arg8[%parallel_loop3A_522, %parallel_loop3A_523, %parallel_loop3A_524] {strides = array<i32>} : memref<4x128x64xi32, #tpu.memory_space<vmem>>, vector<16xi32>,
        %parallel_loop3A_526 = arith.index_cast %and3A_102 : i32 to index
        %parallel_loop3A_527 = arith.index_cast %parallel_loop3A_509 : i32 to index
        %parallel_loop3A_528 = arith.constant 0 : index
        %parallel_loop3A_529 = tpu.vector_load %arg9[%parallel_loop3A_526, %parallel_loop3A_527, %parallel_loop3A_528] {strides = array<i32>} : memref<4x128x64xi32, #tpu.memory_space<vmem>>, vector<16xi32>,
        %parallel_loop3A_530 = arith.index_cast %and3A_102 : i32 to index
        %parallel_loop3A_531 = arith.index_cast %parallel_loop3A_509 : i32 to index
        %parallel_loop3A_532 = arith.constant 16 : index
        %parallel_loop3A_533 = tpu.vector_load %arg9[%parallel_loop3A_530, %parallel_loop3A_531, %parallel_loop3A_532] {strides = array<i32>} : memref<4x128x64xi32, #tpu.memory_space<vmem>>, vector<16xi32>,
        %parallel_loop3A_534 = arith.index_cast %and3A_102 : i32 to index
        %parallel_loop3A_535 = arith.index_cast %parallel_loop3A_509 : i32 to index
        %parallel_loop3A_536 = arith.constant 32 : index
        %parallel_loop3A_537 = tpu.vector_load %arg9[%parallel_loop3A_534, %parallel_loop3A_535, %parallel_loop3A_536] {strides = array<i32>} : memref<4x128x64xi32, #tpu.memory_space<vmem>>, vector<16xi32>,
        %parallel_loop3A_538 = arith.index_cast %and3A_102 : i32 to index
        %parallel_loop3A_539 = arith.index_cast %parallel_loop3A_509 : i32 to index
        %parallel_loop3A_540 = arith.constant 48 : index
        %parallel_loop3A_541 = tpu.vector_load %arg9[%parallel_loop3A_538, %parallel_loop3A_539, %parallel_loop3A_540] {strides = array<i32>} : memref<4x128x64xi32, #tpu.memory_space<vmem>>, vector<16xi32>,
        %parallel_loop3A_542 = vector.bitcast %parallel_loop3A_513 : vector<16xi32> to vector<32xbf16>
        %parallel_loop3A_543 = vector.bitcast %parallel_loop3A_529 : vector<16xi32> to vector<32xbf16>
        %parallel_loop3A_544 = arith.mulf %parallel_loop3A_542, %parallel_loop3A_543 : vector<32xbf16>
        %parallel_loop3A_545 = tpu.unpack_subelements %parallel_loop3A_544, 0 {pack_format = #tpu.pack_format<interleaved>} : vector<32xbf16> -> vector<16xf32>
        %parallel_loop3A_546 = tpu.unpack_subelements %parallel_loop3A_544, 1 {pack_format = #tpu.pack_format<interleaved>} : vector<32xbf16> -> vector<16xf32>
        %parallel_loop3A_547 = vector.bitcast %parallel_loop3A_517 : vector<16xi32> to vector<32xbf16>
        %parallel_loop3A_548 = vector.bitcast %parallel_loop3A_533 : vector<16xi32> to vector<32xbf16>
        %parallel_loop3A_549 = arith.mulf %parallel_loop3A_547, %parallel_loop3A_548 : vector<32xbf16>
        %parallel_loop3A_550 = tpu.unpack_subelements %parallel_loop3A_549, 0 {pack_format = #tpu.pack_format<interleaved>} : vector<32xbf16> -> vector<16xf32>
        %parallel_loop3A_551 = tpu.unpack_subelements %parallel_loop3A_549, 1 {pack_format = #tpu.pack_format<interleaved>} : vector<32xbf16> -> vector<16xf32>
        %parallel_loop3A_552 = vector.bitcast %parallel_loop3A_521 : vector<16xi32> to vector<32xbf16>
        %parallel_loop3A_553 = vector.bitcast %parallel_loop3A_537 : vector<16xi32> to vector<32xbf16>
        %parallel_loop3A_554 = arith.mulf %parallel_loop3A_552, %parallel_loop3A_553 : vector<32xbf16>
        %parallel_loop3A_555 = tpu.unpack_subelements %parallel_loop3A_554, 0 {pack_format = #tpu.pack_format<interleaved>} : vector<32xbf16> -> vector<16xf32>
        %parallel_loop3A_556 = tpu.unpack_subelements %parallel_loop3A_554, 1 {pack_format = #tpu.pack_format<interleaved>} : vector<32xbf16> -> vector<16xf32>
        %parallel_loop3A_557 = vector.bitcast %parallel_loop3A_525 : vector<16xi32> to vector<32xbf16>
        %parallel_loop3A_558 = vector.bitcast %parallel_loop3A_541 : vector<16xi32> to vector<32xbf16>
        %parallel_loop3A_559 = arith.mulf %parallel_loop3A_557, %parallel_loop3A_558 : vector<32xbf16>
        %parallel_loop3A_560 = tpu.unpack_subelements %parallel_loop3A_559, 0 {pack_format = #tpu.pack_format<interleaved>} : vector<32xbf16> -> vector<16xf32>
        %parallel_loop3A_561 = tpu.unpack_subelements %parallel_loop3A_559, 1 {pack_format = #tpu.pack_format<interleaved>} : vector<32xbf16> -> vector<16xf32>
        %parallel_loop3A_562 = arith.addf %parallel_loop3A_545, %parallel_loop3A_546 : vector<16xf32>
        %parallel_loop3A_563 = arith.addf %parallel_loop3A_550, %parallel_loop3A_551 : vector<16xf32>
        %parallel_loop3A_564 = arith.addf %parallel_loop3A_555, %parallel_loop3A_556 : vector<16xf32>
        %parallel_loop3A_565 = arith.addf %parallel_loop3A_560, %parallel_loop3A_561 : vector<16xf32>
        %parallel_loop3A_566 = arith.addf %parallel_loop3A_562, %parallel_loop3A_563 : vector<16xf32>
        %parallel_loop3A_567 = arith.addf %parallel_loop3A_564, %parallel_loop3A_565 : vector<16xf32>
        %parallel_loop3A_568 = arith.addf %parallel_loop3A_566, %parallel_loop3A_567 : vector<16xf32>
        %parallel_loop3A_569 = arith.constant 7 : i32
        %parallel_loop3A_570 = arith.addi %parallel_loop3A_141, %parallel_loop3A_569 : i32
        %parallel_loop3A_571 = arith.index_cast %and3A_102 : i32 to index
        %parallel_loop3A_572 = arith.index_cast %parallel_loop3A_570 : i32 to index
        %parallel_loop3A_573 = arith.constant 0 : index
        %parallel_loop3A_574 = tpu.vector_load %arg8[%parallel_loop3A_571, %parallel_loop3A_572, %parallel_loop3A_573] {strides = array<i32>} : memref<4x128x64xi32, #tpu.memory_space<vmem>>, vector<16xi32>,
        %parallel_loop3A_575 = arith.index_cast %and3A_102 : i32 to index
        %parallel_loop3A_576 = arith.index_cast %parallel_loop3A_570 : i32 to index
        %parallel_loop3A_577 = arith.constant 16 : index
        %parallel_loop3A_578 = tpu.vector_load %arg8[%parallel_loop3A_575, %parallel_loop3A_576, %parallel_loop3A_577] {strides = array<i32>} : memref<4x128x64xi32, #tpu.memory_space<vmem>>, vector<16xi32>,
        %parallel_loop3A_579 = arith.index_cast %and3A_102 : i32 to index
        %parallel_loop3A_580 = arith.index_cast %parallel_loop3A_570 : i32 to index
        %parallel_loop3A_581 = arith.constant 32 : index
        %parallel_loop3A_582 = tpu.vector_load %arg8[%parallel_loop3A_579, %parallel_loop3A_580, %parallel_loop3A_581] {strides = array<i32>} : memref<4x128x64xi32, #tpu.memory_space<vmem>>, vector<16xi32>,
        %parallel_loop3A_583 = arith.index_cast %and3A_102 : i32 to index
        %parallel_loop3A_584 = arith.index_cast %parallel_loop3A_570 : i32 to index
        %parallel_loop3A_585 = arith.constant 48 : index
        %parallel_loop3A_586 = tpu.vector_load %arg8[%parallel_loop3A_583, %parallel_loop3A_584, %parallel_loop3A_585] {strides = array<i32>} : memref<4x128x64xi32, #tpu.memory_space<vmem>>, vector<16xi32>,
        %parallel_loop3A_587 = arith.index_cast %and3A_102 : i32 to index
        %parallel_loop3A_588 = arith.index_cast %parallel_loop3A_570 : i32 to index
        %parallel_loop3A_589 = arith.constant 0 : index
        %parallel_loop3A_590 = tpu.vector_load %arg9[%parallel_loop3A_587, %parallel_loop3A_588, %parallel_loop3A_589] {strides = array<i32>} : memref<4x128x64xi32, #tpu.memory_space<vmem>>, vector<16xi32>,
        %parallel_loop3A_591 = arith.index_cast %and3A_102 : i32 to index
        %parallel_loop3A_592 = arith.index_cast %parallel_loop3A_570 : i32 to index
        %parallel_loop3A_593 = arith.constant 16 : index
        %parallel_loop3A_594 = tpu.vector_load %arg9[%parallel_loop3A_591, %parallel_loop3A_592, %parallel_loop3A_593] {strides = array<i32>} : memref<4x128x64xi32, #tpu.memory_space<vmem>>, vector<16xi32>,
        %parallel_loop3A_595 = arith.index_cast %and3A_102 : i32 to index
        %parallel_loop3A_596 = arith.index_cast %parallel_loop3A_570 : i32 to index
        %parallel_loop3A_597 = arith.constant 32 : index
        %parallel_loop3A_598 = tpu.vector_load %arg9[%parallel_loop3A_595, %parallel_loop3A_596, %parallel_loop3A_597] {strides = array<i32>} : memref<4x128x64xi32, #tpu.memory_space<vmem>>, vector<16xi32>,
        %parallel_loop3A_599 = arith.index_cast %and3A_102 : i32 to index
        %parallel_loop3A_600 = arith.index_cast %parallel_loop3A_570 : i32 to index
        %parallel_loop3A_601 = arith.constant 48 : index
        %parallel_loop3A_602 = tpu.vector_load %arg9[%parallel_loop3A_599, %parallel_loop3A_600, %parallel_loop3A_601] {strides = array<i32>} : memref<4x128x64xi32, #tpu.memory_space<vmem>>, vector<16xi32>,
        %parallel_loop3A_603 = vector.bitcast %parallel_loop3A_574 : vector<16xi32> to vector<32xbf16>
        %parallel_loop3A_604 = vector.bitcast %parallel_loop3A_590 : vector<16xi32> to vector<32xbf16>
        %parallel_loop3A_605 = arith.mulf %parallel_loop3A_603, %parallel_loop3A_604 : vector<32xbf16>
        %parallel_loop3A_606 = tpu.unpack_subelements %parallel_loop3A_605, 0 {pack_format = #tpu.pack_format<interleaved>} : vector<32xbf16> -> vector<16xf32>
        %parallel_loop3A_607 = tpu.unpack_subelements %parallel_loop3A_605, 1 {pack_format = #tpu.pack_format<interleaved>} : vector<32xbf16> -> vector<16xf32>
        %parallel_loop3A_608 = vector.bitcast %parallel_loop3A_578 : vector<16xi32> to vector<32xbf16>
        %parallel_loop3A_609 = vector.bitcast %parallel_loop3A_594 : vector<16xi32> to vector<32xbf16>
        %parallel_loop3A_610 = arith.mulf %parallel_loop3A_608, %parallel_loop3A_609 : vector<32xbf16>
        %parallel_loop3A_611 = tpu.unpack_subelements %parallel_loop3A_610, 0 {pack_format = #tpu.pack_format<interleaved>} : vector<32xbf16> -> vector<16xf32>
        %parallel_loop3A_612 = tpu.unpack_subelements %parallel_loop3A_610, 1 {pack_format = #tpu.pack_format<interleaved>} : vector<32xbf16> -> vector<16xf32>
        %parallel_loop3A_613 = vector.bitcast %parallel_loop3A_582 : vector<16xi32> to vector<32xbf16>
        %parallel_loop3A_614 = vector.bitcast %parallel_loop3A_598 : vector<16xi32> to vector<32xbf16>
        %parallel_loop3A_615 = arith.mulf %parallel_loop3A_613, %parallel_loop3A_614 : vector<32xbf16>
        %parallel_loop3A_616 = tpu.unpack_subelements %parallel_loop3A_615, 0 {pack_format = #tpu.pack_format<interleaved>} : vector<32xbf16> -> vector<16xf32>
        %parallel_loop3A_617 = tpu.unpack_subelements %parallel_loop3A_615, 1 {pack_format = #tpu.pack_format<interleaved>} : vector<32xbf16> -> vector<16xf32>
        %parallel_loop3A_618 = vector.bitcast %parallel_loop3A_586 : vector<16xi32> to vector<32xbf16>
        %parallel_loop3A_619 = vector.bitcast %parallel_loop3A_602 : vector<16xi32> to vector<32xbf16>
        %parallel_loop3A_620 = arith.mulf %parallel_loop3A_618, %parallel_loop3A_619 : vector<32xbf16>
        %parallel_loop3A_621 = tpu.unpack_subelements %parallel_loop3A_620, 0 {pack_format = #tpu.pack_format<interleaved>} : vector<32xbf16> -> vector<16xf32>
        %parallel_loop3A_622 = tpu.unpack_subelements %parallel_loop3A_620, 1 {pack_format = #tpu.pack_format<interleaved>} : vector<32xbf16> -> vector<16xf32>
        %parallel_loop3A_623 = arith.addf %parallel_loop3A_606, %parallel_loop3A_607 : vector<16xf32>
        %parallel_loop3A_624 = arith.addf %parallel_loop3A_611, %parallel_loop3A_612 : vector<16xf32>
        %parallel_loop3A_625 = arith.addf %parallel_loop3A_616, %parallel_loop3A_617 : vector<16xf32>
        %parallel_loop3A_626 = arith.addf %parallel_loop3A_621, %parallel_loop3A_622 : vector<16xf32>
        %parallel_loop3A_627 = arith.addf %parallel_loop3A_623, %parallel_loop3A_624 : vector<16xf32>
        %parallel_loop3A_628 = arith.addf %parallel_loop3A_625, %parallel_loop3A_626 : vector<16xf32>
        %parallel_loop3A_629 = arith.addf %parallel_loop3A_627, %parallel_loop3A_628 : vector<16xf32>
        %parallel_loop3A_630 = arith.constant 8 : i32
        %parallel_loop3A_631 = arith.addi %parallel_loop3A_141, %parallel_loop3A_630 : i32
        %parallel_loop3A_632 = arith.index_cast %and3A_102 : i32 to index
        %parallel_loop3A_633 = arith.index_cast %parallel_loop3A_631 : i32 to index
        %parallel_loop3A_634 = arith.constant 0 : index
        %parallel_loop3A_635 = tpu.vector_load %arg8[%parallel_loop3A_632, %parallel_loop3A_633, %parallel_loop3A_634] {strides = array<i32>} : memref<4x128x64xi32, #tpu.memory_space<vmem>>, vector<16xi32>,
        %parallel_loop3A_636 = arith.index_cast %and3A_102 : i32 to index
        %parallel_loop3A_637 = arith.index_cast %parallel_loop3A_631 : i32 to index
        %parallel_loop3A_638 = arith.constant 16 : index
        %parallel_loop3A_639 = tpu.vector_load %arg8[%parallel_loop3A_636, %parallel_loop3A_637, %parallel_loop3A_638] {strides = array<i32>} : memref<4x128x64xi32, #tpu.memory_space<vmem>>, vector<16xi32>,
        %parallel_loop3A_640 = arith.index_cast %and3A_102 : i32 to index
        %parallel_loop3A_641 = arith.index_cast %parallel_loop3A_631 : i32 to index
        %parallel_loop3A_642 = arith.constant 32 : index
        %parallel_loop3A_643 = tpu.vector_load %arg8[%parallel_loop3A_640, %parallel_loop3A_641, %parallel_loop3A_642] {strides = array<i32>} : memref<4x128x64xi32, #tpu.memory_space<vmem>>, vector<16xi32>,
        %parallel_loop3A_644 = arith.index_cast %and3A_102 : i32 to index
        %parallel_loop3A_645 = arith.index_cast %parallel_loop3A_631 : i32 to index
        %parallel_loop3A_646 = arith.constant 48 : index
        %parallel_loop3A_647 = tpu.vector_load %arg8[%parallel_loop3A_644, %parallel_loop3A_645, %parallel_loop3A_646] {strides = array<i32>} : memref<4x128x64xi32, #tpu.memory_space<vmem>>, vector<16xi32>,
        %parallel_loop3A_648 = arith.index_cast %and3A_102 : i32 to index
        %parallel_loop3A_649 = arith.index_cast %parallel_loop3A_631 : i32 to index
        %parallel_loop3A_650 = arith.constant 0 : index
        %parallel_loop3A_651 = tpu.vector_load %arg9[%parallel_loop3A_648, %parallel_loop3A_649, %parallel_loop3A_650] {strides = array<i32>} : memref<4x128x64xi32, #tpu.memory_space<vmem>>, vector<16xi32>,
        %parallel_loop3A_652 = arith.index_cast %and3A_102 : i32 to index
        %parallel_loop3A_653 = arith.index_cast %parallel_loop3A_631 : i32 to index
        %parallel_loop3A_654 = arith.constant 16 : index
        %parallel_loop3A_655 = tpu.vector_load %arg9[%parallel_loop3A_652, %parallel_loop3A_653, %parallel_loop3A_654] {strides = array<i32>} : memref<4x128x64xi32, #tpu.memory_space<vmem>>, vector<16xi32>,
        %parallel_loop3A_656 = arith.index_cast %and3A_102 : i32 to index
        %parallel_loop3A_657 = arith.index_cast %parallel_loop3A_631 : i32 to index
        %parallel_loop3A_658 = arith.constant 32 : index
        %parallel_loop3A_659 = tpu.vector_load %arg9[%parallel_loop3A_656, %parallel_loop3A_657, %parallel_loop3A_658] {strides = array<i32>} : memref<4x128x64xi32, #tpu.memory_space<vmem>>, vector<16xi32>,
        %parallel_loop3A_660 = arith.index_cast %and3A_102 : i32 to index
        %parallel_loop3A_661 = arith.index_cast %parallel_loop3A_631 : i32 to index
        %parallel_loop3A_662 = arith.constant 48 : index
        %parallel_loop3A_663 = tpu.vector_load %arg9[%parallel_loop3A_660, %parallel_loop3A_661, %parallel_loop3A_662] {strides = array<i32>} : memref<4x128x64xi32, #tpu.memory_space<vmem>>, vector<16xi32>,
        %parallel_loop3A_664 = vector.bitcast %parallel_loop3A_635 : vector<16xi32> to vector<32xbf16>
        %parallel_loop3A_665 = vector.bitcast %parallel_loop3A_651 : vector<16xi32> to vector<32xbf16>
        %parallel_loop3A_666 = arith.mulf %parallel_loop3A_664, %parallel_loop3A_665 : vector<32xbf16>
        %parallel_loop3A_667 = tpu.unpack_subelements %parallel_loop3A_666, 0 {pack_format = #tpu.pack_format<interleaved>} : vector<32xbf16> -> vector<16xf32>
        %parallel_loop3A_668 = tpu.unpack_subelements %parallel_loop3A_666, 1 {pack_format = #tpu.pack_format<interleaved>} : vector<32xbf16> -> vector<16xf32>
        %parallel_loop3A_669 = vector.bitcast %parallel_loop3A_639 : vector<16xi32> to vector<32xbf16>
        %parallel_loop3A_670 = vector.bitcast %parallel_loop3A_655 : vector<16xi32> to vector<32xbf16>
        %parallel_loop3A_671 = arith.mulf %parallel_loop3A_669, %parallel_loop3A_670 : vector<32xbf16>
        %parallel_loop3A_672 = tpu.unpack_subelements %parallel_loop3A_671, 0 {pack_format = #tpu.pack_format<interleaved>} : vector<32xbf16> -> vector<16xf32>
        %parallel_loop3A_673 = tpu.unpack_subelements %parallel_loop3A_671, 1 {pack_format = #tpu.pack_format<interleaved>} : vector<32xbf16> -> vector<16xf32>
        %parallel_loop3A_674 = vector.bitcast %parallel_loop3A_643 : vector<16xi32> to vector<32xbf16>
        %parallel_loop3A_675 = vector.bitcast %parallel_loop3A_659 : vector<16xi32> to vector<32xbf16>
        %parallel_loop3A_676 = arith.mulf %parallel_loop3A_674, %parallel_loop3A_675 : vector<32xbf16>
        %parallel_loop3A_677 = tpu.unpack_subelements %parallel_loop3A_676, 0 {pack_format = #tpu.pack_format<interleaved>} : vector<32xbf16> -> vector<16xf32>
        %parallel_loop3A_678 = tpu.unpack_subelements %parallel_loop3A_676, 1 {pack_format = #tpu.pack_format<interleaved>} : vector<32xbf16> -> vector<16xf32>
        %parallel_loop3A_679 = vector.bitcast %parallel_loop3A_647 : vector<16xi32> to vector<32xbf16>
        %parallel_loop3A_680 = vector.bitcast %parallel_loop3A_663 : vector<16xi32> to vector<32xbf16>
        %parallel_loop3A_681 = arith.mulf %parallel_loop3A_679, %parallel_loop3A_680 : vector<32xbf16>
        %parallel_loop3A_682 = tpu.unpack_subelements %parallel_loop3A_681, 0 {pack_format = #tpu.pack_format<interleaved>} : vector<32xbf16> -> vector<16xf32>
        %parallel_loop3A_683 = tpu.unpack_subelements %parallel_loop3A_681, 1 {pack_format = #tpu.pack_format<interleaved>} : vector<32xbf16> -> vector<16xf32>
        %parallel_loop3A_684 = arith.addf %parallel_loop3A_667, %parallel_loop3A_668 : vector<16xf32>
        %parallel_loop3A_685 = arith.addf %parallel_loop3A_672, %parallel_loop3A_673 : vector<16xf32>
        %parallel_loop3A_686 = arith.addf %parallel_loop3A_677, %parallel_loop3A_678 : vector<16xf32>
        %parallel_loop3A_687 = arith.addf %parallel_loop3A_682, %parallel_loop3A_683 : vector<16xf32>
        %parallel_loop3A_688 = arith.addf %parallel_loop3A_684, %parallel_loop3A_685 : vector<16xf32>
        %parallel_loop3A_689 = arith.addf %parallel_loop3A_686, %parallel_loop3A_687 : vector<16xf32>
        %parallel_loop3A_690 = arith.addf %parallel_loop3A_688, %parallel_loop3A_689 : vector<16xf32>
        %parallel_loop3A_691 = arith.constant 9 : i32
        %parallel_loop3A_692 = arith.addi %parallel_loop3A_141, %parallel_loop3A_691 : i32
        %parallel_loop3A_693 = arith.index_cast %and3A_102 : i32 to index
        %parallel_loop3A_694 = arith.index_cast %parallel_loop3A_692 : i32 to index
        %parallel_loop3A_695 = arith.constant 0 : index
        %parallel_loop3A_696 = tpu.vector_load %arg8[%parallel_loop3A_693, %parallel_loop3A_694, %parallel_loop3A_695] {strides = array<i32>} : memref<4x128x64xi32, #tpu.memory_space<vmem>>, vector<16xi32>,
        %parallel_loop3A_697 = arith.index_cast %and3A_102 : i32 to index
        %parallel_loop3A_698 = arith.index_cast %parallel_loop3A_692 : i32 to index
        %parallel_loop3A_699 = arith.constant 16 : index
        %parallel_loop3A_700 = tpu.vector_load %arg8[%parallel_loop3A_697, %parallel_loop3A_698, %parallel_loop3A_699] {strides = array<i32>} : memref<4x128x64xi32, #tpu.memory_space<vmem>>, vector<16xi32>,
        %parallel_loop3A_701 = arith.index_cast %and3A_102 : i32 to index
        %parallel_loop3A_702 = arith.index_cast %parallel_loop3A_692 : i32 to index
        %parallel_loop3A_703 = arith.constant 32 : index
        %parallel_loop3A_704 = tpu.vector_load %arg8[%parallel_loop3A_701, %parallel_loop3A_702, %parallel_loop3A_703] {strides = array<i32>} : memref<4x128x64xi32, #tpu.memory_space<vmem>>, vector<16xi32>,
        %parallel_loop3A_705 = arith.index_cast %and3A_102 : i32 to index
        %parallel_loop3A_706 = arith.index_cast %parallel_loop3A_692 : i32 to index
        %parallel_loop3A_707 = arith.constant 48 : index
        %parallel_loop3A_708 = tpu.vector_load %arg8[%parallel_loop3A_705, %parallel_loop3A_706, %parallel_loop3A_707] {strides = array<i32>} : memref<4x128x64xi32, #tpu.memory_space<vmem>>, vector<16xi32>,
        %parallel_loop3A_709 = arith.index_cast %and3A_102 : i32 to index
        %parallel_loop3A_710 = arith.index_cast %parallel_loop3A_692 : i32 to index
        %parallel_loop3A_711 = arith.constant 0 : index
        %parallel_loop3A_712 = tpu.vector_load %arg9[%parallel_loop3A_709, %parallel_loop3A_710, %parallel_loop3A_711] {strides = array<i32>} : memref<4x128x64xi32, #tpu.memory_space<vmem>>, vector<16xi32>,
        %parallel_loop3A_713 = arith.index_cast %and3A_102 : i32 to index
        %parallel_loop3A_714 = arith.index_cast %parallel_loop3A_692 : i32 to index
        %parallel_loop3A_715 = arith.constant 16 : index
        %parallel_loop3A_716 = tpu.vector_load %arg9[%parallel_loop3A_713, %parallel_loop3A_714, %parallel_loop3A_715] {strides = array<i32>} : memref<4x128x64xi32, #tpu.memory_space<vmem>>, vector<16xi32>,
        %parallel_loop3A_717 = arith.index_cast %and3A_102 : i32 to index
        %parallel_loop3A_718 = arith.index_cast %parallel_loop3A_692 : i32 to index
        %parallel_loop3A_719 = arith.constant 32 : index
        %parallel_loop3A_720 = tpu.vector_load %arg9[%parallel_loop3A_717, %parallel_loop3A_718, %parallel_loop3A_719] {strides = array<i32>} : memref<4x128x64xi32, #tpu.memory_space<vmem>>, vector<16xi32>,
        %parallel_loop3A_721 = arith.index_cast %and3A_102 : i32 to index
        %parallel_loop3A_722 = arith.index_cast %parallel_loop3A_692 : i32 to index
        %parallel_loop3A_723 = arith.constant 48 : index
        %parallel_loop3A_724 = tpu.vector_load %arg9[%parallel_loop3A_721, %parallel_loop3A_722, %parallel_loop3A_723] {strides = array<i32>} : memref<4x128x64xi32, #tpu.memory_space<vmem>>, vector<16xi32>,
        %parallel_loop3A_725 = vector.bitcast %parallel_loop3A_696 : vector<16xi32> to vector<32xbf16>
        %parallel_loop3A_726 = vector.bitcast %parallel_loop3A_712 : vector<16xi32> to vector<32xbf16>
        %parallel_loop3A_727 = arith.mulf %parallel_loop3A_725, %parallel_loop3A_726 : vector<32xbf16>
        %parallel_loop3A_728 = tpu.unpack_subelements %parallel_loop3A_727, 0 {pack_format = #tpu.pack_format<interleaved>} : vector<32xbf16> -> vector<16xf32>
        %parallel_loop3A_729 = tpu.unpack_subelements %parallel_loop3A_727, 1 {pack_format = #tpu.pack_format<interleaved>} : vector<32xbf16> -> vector<16xf32>
        %parallel_loop3A_730 = vector.bitcast %parallel_loop3A_700 : vector<16xi32> to vector<32xbf16>
        %parallel_loop3A_731 = vector.bitcast %parallel_loop3A_716 : vector<16xi32> to vector<32xbf16>
        %parallel_loop3A_732 = arith.mulf %parallel_loop3A_730, %parallel_loop3A_731 : vector<32xbf16>
        %parallel_loop3A_733 = tpu.unpack_subelements %parallel_loop3A_732, 0 {pack_format = #tpu.pack_format<interleaved>} : vector<32xbf16> -> vector<16xf32>
        %parallel_loop3A_734 = tpu.unpack_subelements %parallel_loop3A_732, 1 {pack_format = #tpu.pack_format<interleaved>} : vector<32xbf16> -> vector<16xf32>
        %parallel_loop3A_735 = vector.bitcast %parallel_loop3A_704 : vector<16xi32> to vector<32xbf16>
        %parallel_loop3A_736 = vector.bitcast %parallel_loop3A_720 : vector<16xi32> to vector<32xbf16>
        %parallel_loop3A_737 = arith.mulf %parallel_loop3A_735, %parallel_loop3A_736 : vector<32xbf16>
        %parallel_loop3A_738 = tpu.unpack_subelements %parallel_loop3A_737, 0 {pack_format = #tpu.pack_format<interleaved>} : vector<32xbf16> -> vector<16xf32>
        %parallel_loop3A_739 = tpu.unpack_subelements %parallel_loop3A_737, 1 {pack_format = #tpu.pack_format<interleaved>} : vector<32xbf16> -> vector<16xf32>
        %parallel_loop3A_740 = vector.bitcast %parallel_loop3A_708 : vector<16xi32> to vector<32xbf16>
        %parallel_loop3A_741 = vector.bitcast %parallel_loop3A_724 : vector<16xi32> to vector<32xbf16>
        %parallel_loop3A_742 = arith.mulf %parallel_loop3A_740, %parallel_loop3A_741 : vector<32xbf16>
        %parallel_loop3A_743 = tpu.unpack_subelements %parallel_loop3A_742, 0 {pack_format = #tpu.pack_format<interleaved>} : vector<32xbf16> -> vector<16xf32>
        %parallel_loop3A_744 = tpu.unpack_subelements %parallel_loop3A_742, 1 {pack_format = #tpu.pack_format<interleaved>} : vector<32xbf16> -> vector<16xf32>
        %parallel_loop3A_745 = arith.addf %parallel_loop3A_728, %parallel_loop3A_729 : vector<16xf32>
        %parallel_loop3A_746 = arith.addf %parallel_loop3A_733, %parallel_loop3A_734 : vector<16xf32>
        %parallel_loop3A_747 = arith.addf %parallel_loop3A_738, %parallel_loop3A_739 : vector<16xf32>
        %parallel_loop3A_748 = arith.addf %parallel_loop3A_743, %parallel_loop3A_744 : vector<16xf32>
        %parallel_loop3A_749 = arith.addf %parallel_loop3A_745, %parallel_loop3A_746 : vector<16xf32>
        %parallel_loop3A_750 = arith.addf %parallel_loop3A_747, %parallel_loop3A_748 : vector<16xf32>
        %parallel_loop3A_751 = arith.addf %parallel_loop3A_749, %parallel_loop3A_750 : vector<16xf32>
        %parallel_loop3A_752 = arith.constant 10 : i32
        %parallel_loop3A_753 = arith.addi %parallel_loop3A_141, %parallel_loop3A_752 : i32
        %parallel_loop3A_754 = arith.index_cast %and3A_102 : i32 to index
        %parallel_loop3A_755 = arith.index_cast %parallel_loop3A_753 : i32 to index
        %parallel_loop3A_756 = arith.constant 0 : index
        %parallel_loop3A_757 = tpu.vector_load %arg8[%parallel_loop3A_754, %parallel_loop3A_755, %parallel_loop3A_756] {strides = array<i32>} : memref<4x128x64xi32, #tpu.memory_space<vmem>>, vector<16xi32>,
        %parallel_loop3A_758 = arith.index_cast %and3A_102 : i32 to index
        %parallel_loop3A_759 = arith.index_cast %parallel_loop3A_753 : i32 to index
        %parallel_loop3A_760 = arith.constant 16 : index
        %parallel_loop3A_761 = tpu.vector_load %arg8[%parallel_loop3A_758, %parallel_loop3A_759, %parallel_loop3A_760] {strides = array<i32>} : memref<4x128x64xi32, #tpu.memory_space<vmem>>, vector<16xi32>,
        %parallel_loop3A_762 = arith.index_cast %and3A_102 : i32 to index
        %parallel_loop3A_763 = arith.index_cast %parallel_loop3A_753 : i32 to index
        %parallel_loop3A_764 = arith.constant 32 : index
        %parallel_loop3A_765 = tpu.vector_load %arg8[%parallel_loop3A_762, %parallel_loop3A_763, %parallel_loop3A_764] {strides = array<i32>} : memref<4x128x64xi32, #tpu.memory_space<vmem>>, vector<16xi32>,
        %parallel_loop3A_766 = arith.index_cast %and3A_102 : i32 to index
        %parallel_loop3A_767 = arith.index_cast %parallel_loop3A_753 : i32 to index
        %parallel_loop3A_768 = arith.constant 48 : index
        %parallel_loop3A_769 = tpu.vector_load %arg8[%parallel_loop3A_766, %parallel_loop3A_767, %parallel_loop3A_768] {strides = array<i32>} : memref<4x128x64xi32, #tpu.memory_space<vmem>>, vector<16xi32>,
        %parallel_loop3A_770 = arith.index_cast %and3A_102 : i32 to index
        %parallel_loop3A_771 = arith.index_cast %parallel_loop3A_753 : i32 to index
        %parallel_loop3A_772 = arith.constant 0 : index
        %parallel_loop3A_773 = tpu.vector_load %arg9[%parallel_loop3A_770, %parallel_loop3A_771, %parallel_loop3A_772] {strides = array<i32>} : memref<4x128x64xi32, #tpu.memory_space<vmem>>, vector<16xi32>,
        %parallel_loop3A_774 = arith.index_cast %and3A_102 : i32 to index
        %parallel_loop3A_775 = arith.index_cast %parallel_loop3A_753 : i32 to index
        %parallel_loop3A_776 = arith.constant 16 : index
        %parallel_loop3A_777 = tpu.vector_load %arg9[%parallel_loop3A_774, %parallel_loop3A_775, %parallel_loop3A_776] {strides = array<i32>} : memref<4x128x64xi32, #tpu.memory_space<vmem>>, vector<16xi32>,
        %parallel_loop3A_778 = arith.index_cast %and3A_102 : i32 to index
        %parallel_loop3A_779 = arith.index_cast %parallel_loop3A_753 : i32 to index
        %parallel_loop3A_780 = arith.constant 32 : index
        %parallel_loop3A_781 = tpu.vector_load %arg9[%parallel_loop3A_778, %parallel_loop3A_779, %parallel_loop3A_780] {strides = array<i32>} : memref<4x128x64xi32, #tpu.memory_space<vmem>>, vector<16xi32>,
        %parallel_loop3A_782 = arith.index_cast %and3A_102 : i32 to index
        %parallel_loop3A_783 = arith.index_cast %parallel_loop3A_753 : i32 to index
        %parallel_loop3A_784 = arith.constant 48 : index
        %parallel_loop3A_785 = tpu.vector_load %arg9[%parallel_loop3A_782, %parallel_loop3A_783, %parallel_loop3A_784] {strides = array<i32>} : memref<4x128x64xi32, #tpu.memory_space<vmem>>, vector<16xi32>,
        %parallel_loop3A_786 = vector.bitcast %parallel_loop3A_757 : vector<16xi32> to vector<32xbf16>
        %parallel_loop3A_787 = vector.bitcast %parallel_loop3A_773 : vector<16xi32> to vector<32xbf16>
        %parallel_loop3A_788 = arith.mulf %parallel_loop3A_786, %parallel_loop3A_787 : vector<32xbf16>
        %parallel_loop3A_789 = tpu.unpack_subelements %parallel_loop3A_788, 0 {pack_format = #tpu.pack_format<interleaved>} : vector<32xbf16> -> vector<16xf32>
        %parallel_loop3A_790 = tpu.unpack_subelements %parallel_loop3A_788, 1 {pack_format = #tpu.pack_format<interleaved>} : vector<32xbf16> -> vector<16xf32>
        %parallel_loop3A_791 = vector.bitcast %parallel_loop3A_761 : vector<16xi32> to vector<32xbf16>
        %parallel_loop3A_792 = vector.bitcast %parallel_loop3A_777 : vector<16xi32> to vector<32xbf16>
        %parallel_loop3A_793 = arith.mulf %parallel_loop3A_791, %parallel_loop3A_792 : vector<32xbf16>
        %parallel_loop3A_794 = tpu.unpack_subelements %parallel_loop3A_793, 0 {pack_format = #tpu.pack_format<interleaved>} : vector<32xbf16> -> vector<16xf32>
        %parallel_loop3A_795 = tpu.unpack_subelements %parallel_loop3A_793, 1 {pack_format = #tpu.pack_format<interleaved>} : vector<32xbf16> -> vector<16xf32>
        %parallel_loop3A_796 = vector.bitcast %parallel_loop3A_765 : vector<16xi32> to vector<32xbf16>
        %parallel_loop3A_797 = vector.bitcast %parallel_loop3A_781 : vector<16xi32> to vector<32xbf16>
        %parallel_loop3A_798 = arith.mulf %parallel_loop3A_796, %parallel_loop3A_797 : vector<32xbf16>
        %parallel_loop3A_799 = tpu.unpack_subelements %parallel_loop3A_798, 0 {pack_format = #tpu.pack_format<interleaved>} : vector<32xbf16> -> vector<16xf32>
        %parallel_loop3A_800 = tpu.unpack_subelements %parallel_loop3A_798, 1 {pack_format = #tpu.pack_format<interleaved>} : vector<32xbf16> -> vector<16xf32>
        %parallel_loop3A_801 = vector.bitcast %parallel_loop3A_769 : vector<16xi32> to vector<32xbf16>
        %parallel_loop3A_802 = vector.bitcast %parallel_loop3A_785 : vector<16xi32> to vector<32xbf16>
        %parallel_loop3A_803 = arith.mulf %parallel_loop3A_801, %parallel_loop3A_802 : vector<32xbf16>
        %parallel_loop3A_804 = tpu.unpack_subelements %parallel_loop3A_803, 0 {pack_format = #tpu.pack_format<interleaved>} : vector<32xbf16> -> vector<16xf32>
        %parallel_loop3A_805 = tpu.unpack_subelements %parallel_loop3A_803, 1 {pack_format = #tpu.pack_format<interleaved>} : vector<32xbf16> -> vector<16xf32>
        %parallel_loop3A_806 = arith.addf %parallel_loop3A_789, %parallel_loop3A_790 : vector<16xf32>
        %parallel_loop3A_807 = arith.addf %parallel_loop3A_794, %parallel_loop3A_795 : vector<16xf32>
        %parallel_loop3A_808 = arith.addf %parallel_loop3A_799, %parallel_loop3A_800 : vector<16xf32>
        %parallel_loop3A_809 = arith.addf %parallel_loop3A_804, %parallel_loop3A_805 : vector<16xf32>
        %parallel_loop3A_810 = arith.addf %parallel_loop3A_806, %parallel_loop3A_807 : vector<16xf32>
        %parallel_loop3A_811 = arith.addf %parallel_loop3A_808, %parallel_loop3A_809 : vector<16xf32>
        %parallel_loop3A_812 = arith.addf %parallel_loop3A_810, %parallel_loop3A_811 : vector<16xf32>
        %parallel_loop3A_813 = arith.constant 11 : i32
        %parallel_loop3A_814 = arith.addi %parallel_loop3A_141, %parallel_loop3A_813 : i32
        %parallel_loop3A_815 = arith.index_cast %and3A_102 : i32 to index
        %parallel_loop3A_816 = arith.index_cast %parallel_loop3A_814 : i32 to index
        %parallel_loop3A_817 = arith.constant 0 : index
        %parallel_loop3A_818 = tpu.vector_load %arg8[%parallel_loop3A_815, %parallel_loop3A_816, %parallel_loop3A_817] {strides = array<i32>} : memref<4x128x64xi32, #tpu.memory_space<vmem>>, vector<16xi32>,
        %parallel_loop3A_819 = arith.index_cast %and3A_102 : i32 to index
        %parallel_loop3A_820 = arith.index_cast %parallel_loop3A_814 : i32 to index
        %parallel_loop3A_821 = arith.constant 16 : index
        %parallel_loop3A_822 = tpu.vector_load %arg8[%parallel_loop3A_819, %parallel_loop3A_820, %parallel_loop3A_821] {strides = array<i32>} : memref<4x128x64xi32, #tpu.memory_space<vmem>>, vector<16xi32>,
        %parallel_loop3A_823 = arith.index_cast %and3A_102 : i32 to index
        %parallel_loop3A_824 = arith.index_cast %parallel_loop3A_814 : i32 to index
        %parallel_loop3A_825 = arith.constant 32 : index
        %parallel_loop3A_826 = tpu.vector_load %arg8[%parallel_loop3A_823, %parallel_loop3A_824, %parallel_loop3A_825] {strides = array<i32>} : memref<4x128x64xi32, #tpu.memory_space<vmem>>, vector<16xi32>,
        %parallel_loop3A_827 = arith.index_cast %and3A_102 : i32 to index
        %parallel_loop3A_828 = arith.index_cast %parallel_loop3A_814 : i32 to index
        %parallel_loop3A_829 = arith.constant 48 : index
        %parallel_loop3A_830 = tpu.vector_load %arg8[%parallel_loop3A_827, %parallel_loop3A_828, %parallel_loop3A_829] {strides = array<i32>} : memref<4x128x64xi32, #tpu.memory_space<vmem>>, vector<16xi32>,
        %parallel_loop3A_831 = arith.index_cast %and3A_102 : i32 to index
        %parallel_loop3A_832 = arith.index_cast %parallel_loop3A_814 : i32 to index
        %parallel_loop3A_833 = arith.constant 0 : index
        %parallel_loop3A_834 = tpu.vector_load %arg9[%parallel_loop3A_831, %parallel_loop3A_832, %parallel_loop3A_833] {strides = array<i32>} : memref<4x128x64xi32, #tpu.memory_space<vmem>>, vector<16xi32>,
        %parallel_loop3A_835 = arith.index_cast %and3A_102 : i32 to index
        %parallel_loop3A_836 = arith.index_cast %parallel_loop3A_814 : i32 to index
        %parallel_loop3A_837 = arith.constant 16 : index
        %parallel_loop3A_838 = tpu.vector_load %arg9[%parallel_loop3A_835, %parallel_loop3A_836, %parallel_loop3A_837] {strides = array<i32>} : memref<4x128x64xi32, #tpu.memory_space<vmem>>, vector<16xi32>,
        %parallel_loop3A_839 = arith.index_cast %and3A_102 : i32 to index
        %parallel_loop3A_840 = arith.index_cast %parallel_loop3A_814 : i32 to index
        %parallel_loop3A_841 = arith.constant 32 : index
        %parallel_loop3A_842 = tpu.vector_load %arg9[%parallel_loop3A_839, %parallel_loop3A_840, %parallel_loop3A_841] {strides = array<i32>} : memref<4x128x64xi32, #tpu.memory_space<vmem>>, vector<16xi32>,
        %parallel_loop3A_843 = arith.index_cast %and3A_102 : i32 to index
        %parallel_loop3A_844 = arith.index_cast %parallel_loop3A_814 : i32 to index
        %parallel_loop3A_845 = arith.constant 48 : index
        %parallel_loop3A_846 = tpu.vector_load %arg9[%parallel_loop3A_843, %parallel_loop3A_844, %parallel_loop3A_845] {strides = array<i32>} : memref<4x128x64xi32, #tpu.memory_space<vmem>>, vector<16xi32>,
        %parallel_loop3A_847 = vector.bitcast %parallel_loop3A_818 : vector<16xi32> to vector<32xbf16>
        %parallel_loop3A_848 = vector.bitcast %parallel_loop3A_834 : vector<16xi32> to vector<32xbf16>
        %parallel_loop3A_849 = arith.mulf %parallel_loop3A_847, %parallel_loop3A_848 : vector<32xbf16>
        %parallel_loop3A_850 = tpu.unpack_subelements %parallel_loop3A_849, 0 {pack_format = #tpu.pack_format<interleaved>} : vector<32xbf16> -> vector<16xf32>
        %parallel_loop3A_851 = tpu.unpack_subelements %parallel_loop3A_849, 1 {pack_format = #tpu.pack_format<interleaved>} : vector<32xbf16> -> vector<16xf32>
        %parallel_loop3A_852 = vector.bitcast %parallel_loop3A_822 : vector<16xi32> to vector<32xbf16>
        %parallel_loop3A_853 = vector.bitcast %parallel_loop3A_838 : vector<16xi32> to vector<32xbf16>
        %parallel_loop3A_854 = arith.mulf %parallel_loop3A_852, %parallel_loop3A_853 : vector<32xbf16>
        %parallel_loop3A_855 = tpu.unpack_subelements %parallel_loop3A_854, 0 {pack_format = #tpu.pack_format<interleaved>} : vector<32xbf16> -> vector<16xf32>
        %parallel_loop3A_856 = tpu.unpack_subelements %parallel_loop3A_854, 1 {pack_format = #tpu.pack_format<interleaved>} : vector<32xbf16> -> vector<16xf32>
        %parallel_loop3A_857 = vector.bitcast %parallel_loop3A_826 : vector<16xi32> to vector<32xbf16>
        %parallel_loop3A_858 = vector.bitcast %parallel_loop3A_842 : vector<16xi32> to vector<32xbf16>
        %parallel_loop3A_859 = arith.mulf %parallel_loop3A_857, %parallel_loop3A_858 : vector<32xbf16>
        %parallel_loop3A_860 = tpu.unpack_subelements %parallel_loop3A_859, 0 {pack_format = #tpu.pack_format<interleaved>} : vector<32xbf16> -> vector<16xf32>
        %parallel_loop3A_861 = tpu.unpack_subelements %parallel_loop3A_859, 1 {pack_format = #tpu.pack_format<interleaved>} : vector<32xbf16> -> vector<16xf32>
        %parallel_loop3A_862 = vector.bitcast %parallel_loop3A_830 : vector<16xi32> to vector<32xbf16>
        %parallel_loop3A_863 = vector.bitcast %parallel_loop3A_846 : vector<16xi32> to vector<32xbf16>
        %parallel_loop3A_864 = arith.mulf %parallel_loop3A_862, %parallel_loop3A_863 : vector<32xbf16>
        %parallel_loop3A_865 = tpu.unpack_subelements %parallel_loop3A_864, 0 {pack_format = #tpu.pack_format<interleaved>} : vector<32xbf16> -> vector<16xf32>
        %parallel_loop3A_866 = tpu.unpack_subelements %parallel_loop3A_864, 1 {pack_format = #tpu.pack_format<interleaved>} : vector<32xbf16> -> vector<16xf32>
        %parallel_loop3A_867 = arith.addf %parallel_loop3A_850, %parallel_loop3A_851 : vector<16xf32>
        %parallel_loop3A_868 = arith.addf %parallel_loop3A_855, %parallel_loop3A_856 : vector<16xf32>
        %parallel_loop3A_869 = arith.addf %parallel_loop3A_860, %parallel_loop3A_861 : vector<16xf32>
        %parallel_loop3A_870 = arith.addf %parallel_loop3A_865, %parallel_loop3A_866 : vector<16xf32>
        %parallel_loop3A_871 = arith.addf %parallel_loop3A_867, %parallel_loop3A_868 : vector<16xf32>
        %parallel_loop3A_872 = arith.addf %parallel_loop3A_869, %parallel_loop3A_870 : vector<16xf32>
        %parallel_loop3A_873 = arith.addf %parallel_loop3A_871, %parallel_loop3A_872 : vector<16xf32>
        %parallel_loop3A_874 = arith.constant 12 : i32
        %parallel_loop3A_875 = arith.addi %parallel_loop3A_141, %parallel_loop3A_874 : i32
        %parallel_loop3A_876 = arith.index_cast %and3A_102 : i32 to index
        %parallel_loop3A_877 = arith.index_cast %parallel_loop3A_875 : i32 to index
        %parallel_loop3A_878 = arith.constant 0 : index
        %parallel_loop3A_879 = tpu.vector_load %arg8[%parallel_loop3A_876, %parallel_loop3A_877, %parallel_loop3A_878] {strides = array<i32>} : memref<4x128x64xi32, #tpu.memory_space<vmem>>, vector<16xi32>,
        %parallel_loop3A_880 = arith.index_cast %and3A_102 : i32 to index
        %parallel_loop3A_881 = arith.index_cast %parallel_loop3A_875 : i32 to index
        %parallel_loop3A_882 = arith.constant 16 : index
        %parallel_loop3A_883 = tpu.vector_load %arg8[%parallel_loop3A_880, %parallel_loop3A_881, %parallel_loop3A_882] {strides = array<i32>} : memref<4x128x64xi32, #tpu.memory_space<vmem>>, vector<16xi32>,
        %parallel_loop3A_884 = arith.index_cast %and3A_102 : i32 to index
        %parallel_loop3A_885 = arith.index_cast %parallel_loop3A_875 : i32 to index
        %parallel_loop3A_886 = arith.constant 32 : index
        %parallel_loop3A_887 = tpu.vector_load %arg8[%parallel_loop3A_884, %parallel_loop3A_885, %parallel_loop3A_886] {strides = array<i32>} : memref<4x128x64xi32, #tpu.memory_space<vmem>>, vector<16xi32>,
        %parallel_loop3A_888 = arith.index_cast %and3A_102 : i32 to index
        %parallel_loop3A_889 = arith.index_cast %parallel_loop3A_875 : i32 to index
        %parallel_loop3A_890 = arith.constant 48 : index
        %parallel_loop3A_891 = tpu.vector_load %arg8[%parallel_loop3A_888, %parallel_loop3A_889, %parallel_loop3A_890] {strides = array<i32>} : memref<4x128x64xi32, #tpu.memory_space<vmem>>, vector<16xi32>,
        %parallel_loop3A_892 = arith.index_cast %and3A_102 : i32 to index
        %parallel_loop3A_893 = arith.index_cast %parallel_loop3A_875 : i32 to index
        %parallel_loop3A_894 = arith.constant 0 : index
        %parallel_loop3A_895 = tpu.vector_load %arg9[%parallel_loop3A_892, %parallel_loop3A_893, %parallel_loop3A_894] {strides = array<i32>} : memref<4x128x64xi32, #tpu.memory_space<vmem>>, vector<16xi32>,
        %parallel_loop3A_896 = arith.index_cast %and3A_102 : i32 to index
        %parallel_loop3A_897 = arith.index_cast %parallel_loop3A_875 : i32 to index
        %parallel_loop3A_898 = arith.constant 16 : index
        %parallel_loop3A_899 = tpu.vector_load %arg9[%parallel_loop3A_896, %parallel_loop3A_897, %parallel_loop3A_898] {strides = array<i32>} : memref<4x128x64xi32, #tpu.memory_space<vmem>>, vector<16xi32>,
        %parallel_loop3A_900 = arith.index_cast %and3A_102 : i32 to index
        %parallel_loop3A_901 = arith.index_cast %parallel_loop3A_875 : i32 to index
        %parallel_loop3A_902 = arith.constant 32 : index
        %parallel_loop3A_903 = tpu.vector_load %arg9[%parallel_loop3A_900, %parallel_loop3A_901, %parallel_loop3A_902] {strides = array<i32>} : memref<4x128x64xi32, #tpu.memory_space<vmem>>, vector<16xi32>,
        %parallel_loop3A_904 = arith.index_cast %and3A_102 : i32 to index
        %parallel_loop3A_905 = arith.index_cast %parallel_loop3A_875 : i32 to index
        %parallel_loop3A_906 = arith.constant 48 : index
        %parallel_loop3A_907 = tpu.vector_load %arg9[%parallel_loop3A_904, %parallel_loop3A_905, %parallel_loop3A_906] {strides = array<i32>} : memref<4x128x64xi32, #tpu.memory_space<vmem>>, vector<16xi32>,
        %parallel_loop3A_908 = vector.bitcast %parallel_loop3A_879 : vector<16xi32> to vector<32xbf16>
        %parallel_loop3A_909 = vector.bitcast %parallel_loop3A_895 : vector<16xi32> to vector<32xbf16>
        %parallel_loop3A_910 = arith.mulf %parallel_loop3A_908, %parallel_loop3A_909 : vector<32xbf16>
        %parallel_loop3A_911 = tpu.unpack_subelements %parallel_loop3A_910, 0 {pack_format = #tpu.pack_format<interleaved>} : vector<32xbf16> -> vector<16xf32>
        %parallel_loop3A_912 = tpu.unpack_subelements %parallel_loop3A_910, 1 {pack_format = #tpu.pack_format<interleaved>} : vector<32xbf16> -> vector<16xf32>
        %parallel_loop3A_913 = vector.bitcast %parallel_loop3A_883 : vector<16xi32> to vector<32xbf16>
        %parallel_loop3A_914 = vector.bitcast %parallel_loop3A_899 : vector<16xi32> to vector<32xbf16>
        %parallel_loop3A_915 = arith.mulf %parallel_loop3A_913, %parallel_loop3A_914 : vector<32xbf16>
        %parallel_loop3A_916 = tpu.unpack_subelements %parallel_loop3A_915, 0 {pack_format = #tpu.pack_format<interleaved>} : vector<32xbf16> -> vector<16xf32>
        %parallel_loop3A_917 = tpu.unpack_subelements %parallel_loop3A_915, 1 {pack_format = #tpu.pack_format<interleaved>} : vector<32xbf16> -> vector<16xf32>
        %parallel_loop3A_918 = vector.bitcast %parallel_loop3A_887 : vector<16xi32> to vector<32xbf16>
        %parallel_loop3A_919 = vector.bitcast %parallel_loop3A_903 : vector<16xi32> to vector<32xbf16>
        %parallel_loop3A_920 = arith.mulf %parallel_loop3A_918, %parallel_loop3A_919 : vector<32xbf16>
        %parallel_loop3A_921 = tpu.unpack_subelements %parallel_loop3A_920, 0 {pack_format = #tpu.pack_format<interleaved>} : vector<32xbf16> -> vector<16xf32>
        %parallel_loop3A_922 = tpu.unpack_subelements %parallel_loop3A_920, 1 {pack_format = #tpu.pack_format<interleaved>} : vector<32xbf16> -> vector<16xf32>
        %parallel_loop3A_923 = vector.bitcast %parallel_loop3A_891 : vector<16xi32> to vector<32xbf16>
        %parallel_loop3A_924 = vector.bitcast %parallel_loop3A_907 : vector<16xi32> to vector<32xbf16>
        %parallel_loop3A_925 = arith.mulf %parallel_loop3A_923, %parallel_loop3A_924 : vector<32xbf16>
        %parallel_loop3A_926 = tpu.unpack_subelements %parallel_loop3A_925, 0 {pack_format = #tpu.pack_format<interleaved>} : vector<32xbf16> -> vector<16xf32>
        %parallel_loop3A_927 = tpu.unpack_subelements %parallel_loop3A_925, 1 {pack_format = #tpu.pack_format<interleaved>} : vector<32xbf16> -> vector<16xf32>
        %parallel_loop3A_928 = arith.addf %parallel_loop3A_911, %parallel_loop3A_912 : vector<16xf32>
        %parallel_loop3A_929 = arith.addf %parallel_loop3A_916, %parallel_loop3A_917 : vector<16xf32>
        %parallel_loop3A_930 = arith.addf %parallel_loop3A_921, %parallel_loop3A_922 : vector<16xf32>
        %parallel_loop3A_931 = arith.addf %parallel_loop3A_926, %parallel_loop3A_927 : vector<16xf32>
        %parallel_loop3A_932 = arith.addf %parallel_loop3A_928, %parallel_loop3A_929 : vector<16xf32>
        %parallel_loop3A_933 = arith.addf %parallel_loop3A_930, %parallel_loop3A_931 : vector<16xf32>
        %parallel_loop3A_934 = arith.addf %parallel_loop3A_932, %parallel_loop3A_933 : vector<16xf32>
        %parallel_loop3A_935 = arith.constant 13 : i32
        %parallel_loop3A_936 = arith.addi %parallel_loop3A_141, %parallel_loop3A_935 : i32
        %parallel_loop3A_937 = arith.index_cast %and3A_102 : i32 to index
        %parallel_loop3A_938 = arith.index_cast %parallel_loop3A_936 : i32 to index
        %parallel_loop3A_939 = arith.constant 0 : index
        %parallel_loop3A_940 = tpu.vector_load %arg8[%parallel_loop3A_937, %parallel_loop3A_938, %parallel_loop3A_939] {strides = array<i32>} : memref<4x128x64xi32, #tpu.memory_space<vmem>>, vector<16xi32>,
        %parallel_loop3A_941 = arith.index_cast %and3A_102 : i32 to index
        %parallel_loop3A_942 = arith.index_cast %parallel_loop3A_936 : i32 to index
        %parallel_loop3A_943 = arith.constant 16 : index
        %parallel_loop3A_944 = tpu.vector_load %arg8[%parallel_loop3A_941, %parallel_loop3A_942, %parallel_loop3A_943] {strides = array<i32>} : memref<4x128x64xi32, #tpu.memory_space<vmem>>, vector<16xi32>,
        %parallel_loop3A_945 = arith.index_cast %and3A_102 : i32 to index
        %parallel_loop3A_946 = arith.index_cast %parallel_loop3A_936 : i32 to index
        %parallel_loop3A_947 = arith.constant 32 : index
        %parallel_loop3A_948 = tpu.vector_load %arg8[%parallel_loop3A_945, %parallel_loop3A_946, %parallel_loop3A_947] {strides = array<i32>} : memref<4x128x64xi32, #tpu.memory_space<vmem>>, vector<16xi32>,
        %parallel_loop3A_949 = arith.index_cast %and3A_102 : i32 to index
        %parallel_loop3A_950 = arith.index_cast %parallel_loop3A_936 : i32 to index
        %parallel_loop3A_951 = arith.constant 48 : index
        %parallel_loop3A_952 = tpu.vector_load %arg8[%parallel_loop3A_949, %parallel_loop3A_950, %parallel_loop3A_951] {strides = array<i32>} : memref<4x128x64xi32, #tpu.memory_space<vmem>>, vector<16xi32>,
        %parallel_loop3A_953 = arith.index_cast %and3A_102 : i32 to index
        %parallel_loop3A_954 = arith.index_cast %parallel_loop3A_936 : i32 to index
        %parallel_loop3A_955 = arith.constant 0 : index
        %parallel_loop3A_956 = tpu.vector_load %arg9[%parallel_loop3A_953, %parallel_loop3A_954, %parallel_loop3A_955] {strides = array<i32>} : memref<4x128x64xi32, #tpu.memory_space<vmem>>, vector<16xi32>,
        %parallel_loop3A_957 = arith.index_cast %and3A_102 : i32 to index
        %parallel_loop3A_958 = arith.index_cast %parallel_loop3A_936 : i32 to index
        %parallel_loop3A_959 = arith.constant 16 : index
        %parallel_loop3A_960 = tpu.vector_load %arg9[%parallel_loop3A_957, %parallel_loop3A_958, %parallel_loop3A_959] {strides = array<i32>} : memref<4x128x64xi32, #tpu.memory_space<vmem>>, vector<16xi32>,
        %parallel_loop3A_961 = arith.index_cast %and3A_102 : i32 to index
        %parallel_loop3A_962 = arith.index_cast %parallel_loop3A_936 : i32 to index
        %parallel_loop3A_963 = arith.constant 32 : index
        %parallel_loop3A_964 = tpu.vector_load %arg9[%parallel_loop3A_961, %parallel_loop3A_962, %parallel_loop3A_963] {strides = array<i32>} : memref<4x128x64xi32, #tpu.memory_space<vmem>>, vector<16xi32>,
        %parallel_loop3A_965 = arith.index_cast %and3A_102 : i32 to index
        %parallel_loop3A_966 = arith.index_cast %parallel_loop3A_936 : i32 to index
        %parallel_loop3A_967 = arith.constant 48 : index
        %parallel_loop3A_968 = tpu.vector_load %arg9[%parallel_loop3A_965, %parallel_loop3A_966, %parallel_loop3A_967] {strides = array<i32>} : memref<4x128x64xi32, #tpu.memory_space<vmem>>, vector<16xi32>,
        %parallel_loop3A_969 = vector.bitcast %parallel_loop3A_940 : vector<16xi32> to vector<32xbf16>
        %parallel_loop3A_970 = vector.bitcast %parallel_loop3A_956 : vector<16xi32> to vector<32xbf16>
        %parallel_loop3A_971 = arith.mulf %parallel_loop3A_969, %parallel_loop3A_970 : vector<32xbf16>
        %parallel_loop3A_972 = tpu.unpack_subelements %parallel_loop3A_971, 0 {pack_format = #tpu.pack_format<interleaved>} : vector<32xbf16> -> vector<16xf32>
        %parallel_loop3A_973 = tpu.unpack_subelements %parallel_loop3A_971, 1 {pack_format = #tpu.pack_format<interleaved>} : vector<32xbf16> -> vector<16xf32>
        %parallel_loop3A_974 = vector.bitcast %parallel_loop3A_944 : vector<16xi32> to vector<32xbf16>
        %parallel_loop3A_975 = vector.bitcast %parallel_loop3A_960 : vector<16xi32> to vector<32xbf16>
        %parallel_loop3A_976 = arith.mulf %parallel_loop3A_974, %parallel_loop3A_975 : vector<32xbf16>
        %parallel_loop3A_977 = tpu.unpack_subelements %parallel_loop3A_976, 0 {pack_format = #tpu.pack_format<interleaved>} : vector<32xbf16> -> vector<16xf32>
        %parallel_loop3A_978 = tpu.unpack_subelements %parallel_loop3A_976, 1 {pack_format = #tpu.pack_format<interleaved>} : vector<32xbf16> -> vector<16xf32>
        %parallel_loop3A_979 = vector.bitcast %parallel_loop3A_948 : vector<16xi32> to vector<32xbf16>
        %parallel_loop3A_980 = vector.bitcast %parallel_loop3A_964 : vector<16xi32> to vector<32xbf16>
        %parallel_loop3A_981 = arith.mulf %parallel_loop3A_979, %parallel_loop3A_980 : vector<32xbf16>
        %parallel_loop3A_982 = tpu.unpack_subelements %parallel_loop3A_981, 0 {pack_format = #tpu.pack_format<interleaved>} : vector<32xbf16> -> vector<16xf32>
        %parallel_loop3A_983 = tpu.unpack_subelements %parallel_loop3A_981, 1 {pack_format = #tpu.pack_format<interleaved>} : vector<32xbf16> -> vector<16xf32>
        %parallel_loop3A_984 = vector.bitcast %parallel_loop3A_952 : vector<16xi32> to vector<32xbf16>
        %parallel_loop3A_985 = vector.bitcast %parallel_loop3A_968 : vector<16xi32> to vector<32xbf16>
        %parallel_loop3A_986 = arith.mulf %parallel_loop3A_984, %parallel_loop3A_985 : vector<32xbf16>
        %parallel_loop3A_987 = tpu.unpack_subelements %parallel_loop3A_986, 0 {pack_format = #tpu.pack_format<interleaved>} : vector<32xbf16> -> vector<16xf32>
        %parallel_loop3A_988 = tpu.unpack_subelements %parallel_loop3A_986, 1 {pack_format = #tpu.pack_format<interleaved>} : vector<32xbf16> -> vector<16xf32>
        %parallel_loop3A_989 = arith.addf %parallel_loop3A_972, %parallel_loop3A_973 : vector<16xf32>
        %parallel_loop3A_990 = arith.addf %parallel_loop3A_977, %parallel_loop3A_978 : vector<16xf32>
        %parallel_loop3A_991 = arith.addf %parallel_loop3A_982, %parallel_loop3A_983 : vector<16xf32>
        %parallel_loop3A_992 = arith.addf %parallel_loop3A_987, %parallel_loop3A_988 : vector<16xf32>
        %parallel_loop3A_993 = arith.addf %parallel_loop3A_989, %parallel_loop3A_990 : vector<16xf32>
        %parallel_loop3A_994 = arith.addf %parallel_loop3A_991, %parallel_loop3A_992 : vector<16xf32>
        %parallel_loop3A_995 = arith.addf %parallel_loop3A_993, %parallel_loop3A_994 : vector<16xf32>
        %parallel_loop3A_996 = arith.constant 14 : i32
        %parallel_loop3A_997 = arith.addi %parallel_loop3A_141, %parallel_loop3A_996 : i32
        %parallel_loop3A_998 = arith.index_cast %and3A_102 : i32 to index
        %parallel_loop3A_999 = arith.index_cast %parallel_loop3A_997 : i32 to index
        %parallel_loop3A_1000 = arith.constant 0 : index
        %parallel_loop3A_1001 = tpu.vector_load %arg8[%parallel_loop3A_998, %parallel_loop3A_999, %parallel_loop3A_1000] {strides = array<i32>} : memref<4x128x64xi32, #tpu.memory_space<vmem>>, vector<16xi32>,
        %parallel_loop3A_1002 = arith.index_cast %and3A_102 : i32 to index
        %parallel_loop3A_1003 = arith.index_cast %parallel_loop3A_997 : i32 to index
        %parallel_loop3A_1004 = arith.constant 16 : index
        %parallel_loop3A_1005 = tpu.vector_load %arg8[%parallel_loop3A_1002, %parallel_loop3A_1003, %parallel_loop3A_1004] {strides = array<i32>} : memref<4x128x64xi32, #tpu.memory_space<vmem>>, vector<16xi32>,
        %parallel_loop3A_1006 = arith.index_cast %and3A_102 : i32 to index
        %parallel_loop3A_1007 = arith.index_cast %parallel_loop3A_997 : i32 to index
        %parallel_loop3A_1008 = arith.constant 32 : index
        %parallel_loop3A_1009 = tpu.vector_load %arg8[%parallel_loop3A_1006, %parallel_loop3A_1007, %parallel_loop3A_1008] {strides = array<i32>} : memref<4x128x64xi32, #tpu.memory_space<vmem>>, vector<16xi32>,
        %parallel_loop3A_1010 = arith.index_cast %and3A_102 : i32 to index
        %parallel_loop3A_1011 = arith.index_cast %parallel_loop3A_997 : i32 to index
        %parallel_loop3A_1012 = arith.constant 48 : index
        %parallel_loop3A_1013 = tpu.vector_load %arg8[%parallel_loop3A_1010, %parallel_loop3A_1011, %parallel_loop3A_1012] {strides = array<i32>} : memref<4x128x64xi32, #tpu.memory_space<vmem>>, vector<16xi32>,
        %parallel_loop3A_1014 = arith.index_cast %and3A_102 : i32 to index
        %parallel_loop3A_1015 = arith.index_cast %parallel_loop3A_997 : i32 to index
        %parallel_loop3A_1016 = arith.constant 0 : index
        %parallel_loop3A_1017 = tpu.vector_load %arg9[%parallel_loop3A_1014, %parallel_loop3A_1015, %parallel_loop3A_1016] {strides = array<i32>} : memref<4x128x64xi32, #tpu.memory_space<vmem>>, vector<16xi32>,
        %parallel_loop3A_1018 = arith.index_cast %and3A_102 : i32 to index
        %parallel_loop3A_1019 = arith.index_cast %parallel_loop3A_997 : i32 to index
        %parallel_loop3A_1020 = arith.constant 16 : index
        %parallel_loop3A_1021 = tpu.vector_load %arg9[%parallel_loop3A_1018, %parallel_loop3A_1019, %parallel_loop3A_1020] {strides = array<i32>} : memref<4x128x64xi32, #tpu.memory_space<vmem>>, vector<16xi32>,
        %parallel_loop3A_1022 = arith.index_cast %and3A_102 : i32 to index
        %parallel_loop3A_1023 = arith.index_cast %parallel_loop3A_997 : i32 to index
        %parallel_loop3A_1024 = arith.constant 32 : index
        %parallel_loop3A_1025 = tpu.vector_load %arg9[%parallel_loop3A_1022, %parallel_loop3A_1023, %parallel_loop3A_1024] {strides = array<i32>} : memref<4x128x64xi32, #tpu.memory_space<vmem>>, vector<16xi32>,
        %parallel_loop3A_1026 = arith.index_cast %and3A_102 : i32 to index
        %parallel_loop3A_1027 = arith.index_cast %parallel_loop3A_997 : i32 to index
        %parallel_loop3A_1028 = arith.constant 48 : index
        %parallel_loop3A_1029 = tpu.vector_load %arg9[%parallel_loop3A_1026, %parallel_loop3A_1027, %parallel_loop3A_1028] {strides = array<i32>} : memref<4x128x64xi32, #tpu.memory_space<vmem>>, vector<16xi32>,
        %parallel_loop3A_1030 = vector.bitcast %parallel_loop3A_1001 : vector<16xi32> to vector<32xbf16>
        %parallel_loop3A_1031 = vector.bitcast %parallel_loop3A_1017 : vector<16xi32> to vector<32xbf16>
        %parallel_loop3A_1032 = arith.mulf %parallel_loop3A_1030, %parallel_loop3A_1031 : vector<32xbf16>
        %parallel_loop3A_1033 = tpu.unpack_subelements %parallel_loop3A_1032, 0 {pack_format = #tpu.pack_format<interleaved>} : vector<32xbf16> -> vector<16xf32>
        %parallel_loop3A_1034 = tpu.unpack_subelements %parallel_loop3A_1032, 1 {pack_format = #tpu.pack_format<interleaved>} : vector<32xbf16> -> vector<16xf32>
        %parallel_loop3A_1035 = vector.bitcast %parallel_loop3A_1005 : vector<16xi32> to vector<32xbf16>
        %parallel_loop3A_1036 = vector.bitcast %parallel_loop3A_1021 : vector<16xi32> to vector<32xbf16>
        %parallel_loop3A_1037 = arith.mulf %parallel_loop3A_1035, %parallel_loop3A_1036 : vector<32xbf16>
        %parallel_loop3A_1038 = tpu.unpack_subelements %parallel_loop3A_1037, 0 {pack_format = #tpu.pack_format<interleaved>} : vector<32xbf16> -> vector<16xf32>
        %parallel_loop3A_1039 = tpu.unpack_subelements %parallel_loop3A_1037, 1 {pack_format = #tpu.pack_format<interleaved>} : vector<32xbf16> -> vector<16xf32>
        %parallel_loop3A_1040 = vector.bitcast %parallel_loop3A_1009 : vector<16xi32> to vector<32xbf16>
        %parallel_loop3A_1041 = vector.bitcast %parallel_loop3A_1025 : vector<16xi32> to vector<32xbf16>
        %parallel_loop3A_1042 = arith.mulf %parallel_loop3A_1040, %parallel_loop3A_1041 : vector<32xbf16>
        %parallel_loop3A_1043 = tpu.unpack_subelements %parallel_loop3A_1042, 0 {pack_format = #tpu.pack_format<interleaved>} : vector<32xbf16> -> vector<16xf32>
        %parallel_loop3A_1044 = tpu.unpack_subelements %parallel_loop3A_1042, 1 {pack_format = #tpu.pack_format<interleaved>} : vector<32xbf16> -> vector<16xf32>
        %parallel_loop3A_1045 = vector.bitcast %parallel_loop3A_1013 : vector<16xi32> to vector<32xbf16>
        %parallel_loop3A_1046 = vector.bitcast %parallel_loop3A_1029 : vector<16xi32> to vector<32xbf16>
        %parallel_loop3A_1047 = arith.mulf %parallel_loop3A_1045, %parallel_loop3A_1046 : vector<32xbf16>
        %parallel_loop3A_1048 = tpu.unpack_subelements %parallel_loop3A_1047, 0 {pack_format = #tpu.pack_format<interleaved>} : vector<32xbf16> -> vector<16xf32>
        %parallel_loop3A_1049 = tpu.unpack_subelements %parallel_loop3A_1047, 1 {pack_format = #tpu.pack_format<interleaved>} : vector<32xbf16> -> vector<16xf32>
        %parallel_loop3A_1050 = arith.addf %parallel_loop3A_1033, %parallel_loop3A_1034 : vector<16xf32>
        %parallel_loop3A_1051 = arith.addf %parallel_loop3A_1038, %parallel_loop3A_1039 : vector<16xf32>
        %parallel_loop3A_1052 = arith.addf %parallel_loop3A_1043, %parallel_loop3A_1044 : vector<16xf32>
        %parallel_loop3A_1053 = arith.addf %parallel_loop3A_1048, %parallel_loop3A_1049 : vector<16xf32>
        %parallel_loop3A_1054 = arith.addf %parallel_loop3A_1050, %parallel_loop3A_1051 : vector<16xf32>
        %parallel_loop3A_1055 = arith.addf %parallel_loop3A_1052, %parallel_loop3A_1053 : vector<16xf32>
        %parallel_loop3A_1056 = arith.addf %parallel_loop3A_1054, %parallel_loop3A_1055 : vector<16xf32>
        %parallel_loop3A_1057 = arith.constant 15 : i32
        %parallel_loop3A_1058 = arith.addi %parallel_loop3A_141, %parallel_loop3A_1057 : i32
        %parallel_loop3A_1059 = arith.index_cast %and3A_102 : i32 to index
        %parallel_loop3A_1060 = arith.index_cast %parallel_loop3A_1058 : i32 to index
        %parallel_loop3A_1061 = arith.constant 0 : index
        %parallel_loop3A_1062 = tpu.vector_load %arg8[%parallel_loop3A_1059, %parallel_loop3A_1060, %parallel_loop3A_1061] {strides = array<i32>} : memref<4x128x64xi32, #tpu.memory_space<vmem>>, vector<16xi32>,
        %parallel_loop3A_1063 = arith.index_cast %and3A_102 : i32 to index
        %parallel_loop3A_1064 = arith.index_cast %parallel_loop3A_1058 : i32 to index
        %parallel_loop3A_1065 = arith.constant 16 : index
        %parallel_loop3A_1066 = tpu.vector_load %arg8[%parallel_loop3A_1063, %parallel_loop3A_1064, %parallel_loop3A_1065] {strides = array<i32>} : memref<4x128x64xi32, #tpu.memory_space<vmem>>, vector<16xi32>,
        %parallel_loop3A_1067 = arith.index_cast %and3A_102 : i32 to index
        %parallel_loop3A_1068 = arith.index_cast %parallel_loop3A_1058 : i32 to index
        %parallel_loop3A_1069 = arith.constant 32 : index
        %parallel_loop3A_1070 = tpu.vector_load %arg8[%parallel_loop3A_1067, %parallel_loop3A_1068, %parallel_loop3A_1069] {strides = array<i32>} : memref<4x128x64xi32, #tpu.memory_space<vmem>>, vector<16xi32>,
        %parallel_loop3A_1071 = arith.index_cast %and3A_102 : i32 to index
        %parallel_loop3A_1072 = arith.index_cast %parallel_loop3A_1058 : i32 to index
        %parallel_loop3A_1073 = arith.constant 48 : index
        %parallel_loop3A_1074 = tpu.vector_load %arg8[%parallel_loop3A_1071, %parallel_loop3A_1072, %parallel_loop3A_1073] {strides = array<i32>} : memref<4x128x64xi32, #tpu.memory_space<vmem>>, vector<16xi32>,
        %parallel_loop3A_1075 = arith.index_cast %and3A_102 : i32 to index
        %parallel_loop3A_1076 = arith.index_cast %parallel_loop3A_1058 : i32 to index
        %parallel_loop3A_1077 = arith.constant 0 : index
        %parallel_loop3A_1078 = tpu.vector_load %arg9[%parallel_loop3A_1075, %parallel_loop3A_1076, %parallel_loop3A_1077] {strides = array<i32>} : memref<4x128x64xi32, #tpu.memory_space<vmem>>, vector<16xi32>,
        %parallel_loop3A_1079 = arith.index_cast %and3A_102 : i32 to index
        %parallel_loop3A_1080 = arith.index_cast %parallel_loop3A_1058 : i32 to index
        %parallel_loop3A_1081 = arith.constant 16 : index
        %parallel_loop3A_1082 = tpu.vector_load %arg9[%parallel_loop3A_1079, %parallel_loop3A_1080, %parallel_loop3A_1081] {strides = array<i32>} : memref<4x128x64xi32, #tpu.memory_space<vmem>>, vector<16xi32>,
        %parallel_loop3A_1083 = arith.index_cast %and3A_102 : i32 to index
        %parallel_loop3A_1084 = arith.index_cast %parallel_loop3A_1058 : i32 to index
        %parallel_loop3A_1085 = arith.constant 32 : index
        %parallel_loop3A_1086 = tpu.vector_load %arg9[%parallel_loop3A_1083, %parallel_loop3A_1084, %parallel_loop3A_1085] {strides = array<i32>} : memref<4x128x64xi32, #tpu.memory_space<vmem>>, vector<16xi32>,
        %parallel_loop3A_1087 = arith.index_cast %and3A_102 : i32 to index
        %parallel_loop3A_1088 = arith.index_cast %parallel_loop3A_1058 : i32 to index
        %parallel_loop3A_1089 = arith.constant 48 : index
        %parallel_loop3A_1090 = tpu.vector_load %arg9[%parallel_loop3A_1087, %parallel_loop3A_1088, %parallel_loop3A_1089] {strides = array<i32>} : memref<4x128x64xi32, #tpu.memory_space<vmem>>, vector<16xi32>,
        %parallel_loop3A_1091 = vector.bitcast %parallel_loop3A_1062 : vector<16xi32> to vector<32xbf16>
        %parallel_loop3A_1092 = vector.bitcast %parallel_loop3A_1078 : vector<16xi32> to vector<32xbf16>
        %parallel_loop3A_1093 = arith.mulf %parallel_loop3A_1091, %parallel_loop3A_1092 : vector<32xbf16>
        %parallel_loop3A_1094 = tpu.unpack_subelements %parallel_loop3A_1093, 0 {pack_format = #tpu.pack_format<interleaved>} : vector<32xbf16> -> vector<16xf32>
        %parallel_loop3A_1095 = tpu.unpack_subelements %parallel_loop3A_1093, 1 {pack_format = #tpu.pack_format<interleaved>} : vector<32xbf16> -> vector<16xf32>
        %parallel_loop3A_1096 = vector.bitcast %parallel_loop3A_1066 : vector<16xi32> to vector<32xbf16>
        %parallel_loop3A_1097 = vector.bitcast %parallel_loop3A_1082 : vector<16xi32> to vector<32xbf16>
        %parallel_loop3A_1098 = arith.mulf %parallel_loop3A_1096, %parallel_loop3A_1097 : vector<32xbf16>
        %parallel_loop3A_1099 = tpu.unpack_subelements %parallel_loop3A_1098, 0 {pack_format = #tpu.pack_format<interleaved>} : vector<32xbf16> -> vector<16xf32>
        %parallel_loop3A_1100 = tpu.unpack_subelements %parallel_loop3A_1098, 1 {pack_format = #tpu.pack_format<interleaved>} : vector<32xbf16> -> vector<16xf32>
        %parallel_loop3A_1101 = vector.bitcast %parallel_loop3A_1070 : vector<16xi32> to vector<32xbf16>
        %parallel_loop3A_1102 = vector.bitcast %parallel_loop3A_1086 : vector<16xi32> to vector<32xbf16>
        %parallel_loop3A_1103 = arith.mulf %parallel_loop3A_1101, %parallel_loop3A_1102 : vector<32xbf16>
        %parallel_loop3A_1104 = tpu.unpack_subelements %parallel_loop3A_1103, 0 {pack_format = #tpu.pack_format<interleaved>} : vector<32xbf16> -> vector<16xf32>
        %parallel_loop3A_1105 = tpu.unpack_subelements %parallel_loop3A_1103, 1 {pack_format = #tpu.pack_format<interleaved>} : vector<32xbf16> -> vector<16xf32>
        %parallel_loop3A_1106 = vector.bitcast %parallel_loop3A_1074 : vector<16xi32> to vector<32xbf16>
        %parallel_loop3A_1107 = vector.bitcast %parallel_loop3A_1090 : vector<16xi32> to vector<32xbf16>
        %parallel_loop3A_1108 = arith.mulf %parallel_loop3A_1106, %parallel_loop3A_1107 : vector<32xbf16>
        %parallel_loop3A_1109 = tpu.unpack_subelements %parallel_loop3A_1108, 0 {pack_format = #tpu.pack_format<interleaved>} : vector<32xbf16> -> vector<16xf32>
        %parallel_loop3A_1110 = tpu.unpack_subelements %parallel_loop3A_1108, 1 {pack_format = #tpu.pack_format<interleaved>} : vector<32xbf16> -> vector<16xf32>
        %parallel_loop3A_1111 = arith.addf %parallel_loop3A_1094, %parallel_loop3A_1095 : vector<16xf32>
        %parallel_loop3A_1112 = arith.addf %parallel_loop3A_1099, %parallel_loop3A_1100 : vector<16xf32>
        %parallel_loop3A_1113 = arith.addf %parallel_loop3A_1104, %parallel_loop3A_1105 : vector<16xf32>
        %parallel_loop3A_1114 = arith.addf %parallel_loop3A_1109, %parallel_loop3A_1110 : vector<16xf32>
        %parallel_loop3A_1115 = arith.addf %parallel_loop3A_1111, %parallel_loop3A_1112 : vector<16xf32>
        %parallel_loop3A_1116 = arith.addf %parallel_loop3A_1113, %parallel_loop3A_1114 : vector<16xf32>
        %parallel_loop3A_1117 = arith.addf %parallel_loop3A_1115, %parallel_loop3A_1116 : vector<16xf32>
        %parallel_loop3A_1118 = arith.constant 1 : i32
        %parallel_loop3A_1119 = vector.broadcast %parallel_loop3A_1118 : i32 to vector<16xi32>
        %parallel_loop3A_1120 = arith.andi %iota3A, %parallel_loop3A_1119 : vector<16xi32>
        %parallel_loop3A_1121 = arith.constant 0 : i32
        %parallel_loop3A_1122 = vector.broadcast %parallel_loop3A_1121 : i32 to vector<16xi32>
        %parallel_loop3A_1123 = arith.cmpi ne, %parallel_loop3A_1120, %parallel_loop3A_1122 : vector<16xi32>
        %parallel_loop3A_1124 = vector.shape_cast %xor3A_4 : vector<16xi32> to vector<16x1xi32>
        %parallel_loop3A_1125 = vector.shape_cast %parallel_loop3A_1124 : vector<16x1xi32> to vector<16xi32>
        %parallel_loop3A_1126 = tpu.dynamic_gather %parallel_loop3A_263[%parallel_loop3A_1125] in [0] : vector<16xf32>, vector<16xi32> -> vector<16xf32>
        %parallel_loop3A_1127 = arith.addf %parallel_loop3A_263, %parallel_loop3A_1126 : vector<16xf32>
        %parallel_loop3A_1128 = vector.shape_cast %xor3A_4 : vector<16xi32> to vector<16x1xi32>
        %parallel_loop3A_1129 = vector.shape_cast %parallel_loop3A_1128 : vector<16x1xi32> to vector<16xi32>
        %parallel_loop3A_1130 = tpu.dynamic_gather %parallel_loop3A_202[%parallel_loop3A_1129] in [0] : vector<16xf32>, vector<16xi32> -> vector<16xf32>
        %parallel_loop3A_1131 = arith.addf %parallel_loop3A_202, %parallel_loop3A_1130 : vector<16xf32>
        %parallel_loop3A_1132 = arith.select %parallel_loop3A_1123, %parallel_loop3A_1127, %parallel_loop3A_1131 : vector<16xi1>, vector<16xf32>
        %parallel_loop3A_1133 = vector.shape_cast %xor3A_4 : vector<16xi32> to vector<16x1xi32>
        %parallel_loop3A_1134 = vector.shape_cast %parallel_loop3A_1133 : vector<16x1xi32> to vector<16xi32>
        %parallel_loop3A_1135 = tpu.dynamic_gather %parallel_loop3A_385[%parallel_loop3A_1134] in [0] : vector<16xf32>, vector<16xi32> -> vector<16xf32>
        %parallel_loop3A_1136 = arith.addf %parallel_loop3A_385, %parallel_loop3A_1135 : vector<16xf32>
        %parallel_loop3A_1137 = vector.shape_cast %xor3A_4 : vector<16xi32> to vector<16x1xi32>
        %parallel_loop3A_1138 = vector.shape_cast %parallel_loop3A_1137 : vector<16x1xi32> to vector<16xi32>
        %parallel_loop3A_1139 = tpu.dynamic_gather %parallel_loop3A_324[%parallel_loop3A_1138] in [0] : vector<16xf32>, vector<16xi32> -> vector<16xf32>
        %parallel_loop3A_1140 = arith.addf %parallel_loop3A_324, %parallel_loop3A_1139 : vector<16xf32>
        %parallel_loop3A_1141 = arith.select %parallel_loop3A_1123, %parallel_loop3A_1136, %parallel_loop3A_1140 : vector<16xi1>, vector<16xf32>
        %parallel_loop3A_1142 = vector.shape_cast %xor3A_4 : vector<16xi32> to vector<16x1xi32>
        %parallel_loop3A_1143 = vector.shape_cast %parallel_loop3A_1142 : vector<16x1xi32> to vector<16xi32>
        %parallel_loop3A_1144 = tpu.dynamic_gather %parallel_loop3A_507[%parallel_loop3A_1143] in [0] : vector<16xf32>, vector<16xi32> -> vector<16xf32>
        %parallel_loop3A_1145 = arith.addf %parallel_loop3A_507, %parallel_loop3A_1144 : vector<16xf32>
        %parallel_loop3A_1146 = vector.shape_cast %xor3A_4 : vector<16xi32> to vector<16x1xi32>
        %parallel_loop3A_1147 = vector.shape_cast %parallel_loop3A_1146 : vector<16x1xi32> to vector<16xi32>
        %parallel_loop3A_1148 = tpu.dynamic_gather %parallel_loop3A_446[%parallel_loop3A_1147] in [0] : vector<16xf32>, vector<16xi32> -> vector<16xf32>
        %parallel_loop3A_1149 = arith.addf %parallel_loop3A_446, %parallel_loop3A_1148 : vector<16xf32>
        %parallel_loop3A_1150 = arith.select %parallel_loop3A_1123, %parallel_loop3A_1145, %parallel_loop3A_1149 : vector<16xi1>, vector<16xf32>
        %parallel_loop3A_1151 = vector.shape_cast %xor3A_4 : vector<16xi32> to vector<16x1xi32>
        %parallel_loop3A_1152 = vector.shape_cast %parallel_loop3A_1151 : vector<16x1xi32> to vector<16xi32>
        %parallel_loop3A_1153 = tpu.dynamic_gather %parallel_loop3A_629[%parallel_loop3A_1152] in [0] : vector<16xf32>, vector<16xi32> -> vector<16xf32>
        %parallel_loop3A_1154 = arith.addf %parallel_loop3A_629, %parallel_loop3A_1153 : vector<16xf32>
        %parallel_loop3A_1155 = vector.shape_cast %xor3A_4 : vector<16xi32> to vector<16x1xi32>
        %parallel_loop3A_1156 = vector.shape_cast %parallel_loop3A_1155 : vector<16x1xi32> to vector<16xi32>
        %parallel_loop3A_1157 = tpu.dynamic_gather %parallel_loop3A_568[%parallel_loop3A_1156] in [0] : vector<16xf32>, vector<16xi32> -> vector<16xf32>
        %parallel_loop3A_1158 = arith.addf %parallel_loop3A_568, %parallel_loop3A_1157 : vector<16xf32>
        %parallel_loop3A_1159 = arith.select %parallel_loop3A_1123, %parallel_loop3A_1154, %parallel_loop3A_1158 : vector<16xi1>, vector<16xf32>
        %parallel_loop3A_1160 = vector.shape_cast %xor3A_4 : vector<16xi32> to vector<16x1xi32>
        %parallel_loop3A_1161 = vector.shape_cast %parallel_loop3A_1160 : vector<16x1xi32> to vector<16xi32>
        %parallel_loop3A_1162 = tpu.dynamic_gather %parallel_loop3A_751[%parallel_loop3A_1161] in [0] : vector<16xf32>, vector<16xi32> -> vector<16xf32>
        %parallel_loop3A_1163 = arith.addf %parallel_loop3A_751, %parallel_loop3A_1162 : vector<16xf32>
        %parallel_loop3A_1164 = vector.shape_cast %xor3A_4 : vector<16xi32> to vector<16x1xi32>
        %parallel_loop3A_1165 = vector.shape_cast %parallel_loop3A_1164 : vector<16x1xi32> to vector<16xi32>
        %parallel_loop3A_1166 = tpu.dynamic_gather %parallel_loop3A_690[%parallel_loop3A_1165] in [0] : vector<16xf32>, vector<16xi32> -> vector<16xf32>
        %parallel_loop3A_1167 = arith.addf %parallel_loop3A_690, %parallel_loop3A_1166 : vector<16xf32>
        %parallel_loop3A_1168 = arith.select %parallel_loop3A_1123, %parallel_loop3A_1163, %parallel_loop3A_1167 : vector<16xi1>, vector<16xf32>
        %parallel_loop3A_1169 = vector.shape_cast %xor3A_4 : vector<16xi32> to vector<16x1xi32>
        %parallel_loop3A_1170 = vector.shape_cast %parallel_loop3A_1169 : vector<16x1xi32> to vector<16xi32>
        %parallel_loop3A_1171 = tpu.dynamic_gather %parallel_loop3A_873[%parallel_loop3A_1170] in [0] : vector<16xf32>, vector<16xi32> -> vector<16xf32>
        %parallel_loop3A_1172 = arith.addf %parallel_loop3A_873, %parallel_loop3A_1171 : vector<16xf32>
        %parallel_loop3A_1173 = vector.shape_cast %xor3A_4 : vector<16xi32> to vector<16x1xi32>
        %parallel_loop3A_1174 = vector.shape_cast %parallel_loop3A_1173 : vector<16x1xi32> to vector<16xi32>
        %parallel_loop3A_1175 = tpu.dynamic_gather %parallel_loop3A_812[%parallel_loop3A_1174] in [0] : vector<16xf32>, vector<16xi32> -> vector<16xf32>
        %parallel_loop3A_1176 = arith.addf %parallel_loop3A_812, %parallel_loop3A_1175 : vector<16xf32>
        %parallel_loop3A_1177 = arith.select %parallel_loop3A_1123, %parallel_loop3A_1172, %parallel_loop3A_1176 : vector<16xi1>, vector<16xf32>
        %parallel_loop3A_1178 = vector.shape_cast %xor3A_4 : vector<16xi32> to vector<16x1xi32>
        %parallel_loop3A_1179 = vector.shape_cast %parallel_loop3A_1178 : vector<16x1xi32> to vector<16xi32>
        %parallel_loop3A_1180 = tpu.dynamic_gather %parallel_loop3A_995[%parallel_loop3A_1179] in [0] : vector<16xf32>, vector<16xi32> -> vector<16xf32>
        %parallel_loop3A_1181 = arith.addf %parallel_loop3A_995, %parallel_loop3A_1180 : vector<16xf32>
        %parallel_loop3A_1182 = vector.shape_cast %xor3A_4 : vector<16xi32> to vector<16x1xi32>
        %parallel_loop3A_1183 = vector.shape_cast %parallel_loop3A_1182 : vector<16x1xi32> to vector<16xi32>
        %parallel_loop3A_1184 = tpu.dynamic_gather %parallel_loop3A_934[%parallel_loop3A_1183] in [0] : vector<16xf32>, vector<16xi32> -> vector<16xf32>
        %parallel_loop3A_1185 = arith.addf %parallel_loop3A_934, %parallel_loop3A_1184 : vector<16xf32>
        %parallel_loop3A_1186 = arith.select %parallel_loop3A_1123, %parallel_loop3A_1181, %parallel_loop3A_1185 : vector<16xi1>, vector<16xf32>
        %parallel_loop3A_1187 = vector.shape_cast %xor3A_4 : vector<16xi32> to vector<16x1xi32>
        %parallel_loop3A_1188 = vector.shape_cast %parallel_loop3A_1187 : vector<16x1xi32> to vector<16xi32>
        %parallel_loop3A_1189 = tpu.dynamic_gather %parallel_loop3A_1117[%parallel_loop3A_1188] in [0] : vector<16xf32>, vector<16xi32> -> vector<16xf32>
        %parallel_loop3A_1190 = arith.addf %parallel_loop3A_1117, %parallel_loop3A_1189 : vector<16xf32>
        %parallel_loop3A_1191 = vector.shape_cast %xor3A_4 : vector<16xi32> to vector<16x1xi32>
        %parallel_loop3A_1192 = vector.shape_cast %parallel_loop3A_1191 : vector<16x1xi32> to vector<16xi32>
        %parallel_loop3A_1193 = tpu.dynamic_gather %parallel_loop3A_1056[%parallel_loop3A_1192] in [0] : vector<16xf32>, vector<16xi32> -> vector<16xf32>
        %parallel_loop3A_1194 = arith.addf %parallel_loop3A_1056, %parallel_loop3A_1193 : vector<16xf32>
        %parallel_loop3A_1195 = arith.select %parallel_loop3A_1123, %parallel_loop3A_1190, %parallel_loop3A_1194 : vector<16xi1>, vector<16xf32>
        %parallel_loop3A_1196 = arith.constant 2 : i32
        %parallel_loop3A_1197 = vector.broadcast %parallel_loop3A_1196 : i32 to vector<16xi32>
        %parallel_loop3A_1198 = arith.andi %iota3A, %parallel_loop3A_1197 : vector<16xi32>
        %parallel_loop3A_1199 = arith.constant 0 : i32
        %parallel_loop3A_1200 = vector.broadcast %parallel_loop3A_1199 : i32 to vector<16xi32>
        %parallel_loop3A_1201 = arith.cmpi ne, %parallel_loop3A_1198, %parallel_loop3A_1200 : vector<16xi32>
        %parallel_loop3A_1202 = vector.shape_cast %xor3A_7 : vector<16xi32> to vector<16x1xi32>
        %parallel_loop3A_1203 = vector.shape_cast %parallel_loop3A_1202 : vector<16x1xi32> to vector<16xi32>
        %parallel_loop3A_1204 = tpu.dynamic_gather %parallel_loop3A_1141[%parallel_loop3A_1203] in [0] : vector<16xf32>, vector<16xi32> -> vector<16xf32>
        %parallel_loop3A_1205 = arith.addf %parallel_loop3A_1141, %parallel_loop3A_1204 : vector<16xf32>
        %parallel_loop3A_1206 = vector.shape_cast %xor3A_7 : vector<16xi32> to vector<16x1xi32>
        %parallel_loop3A_1207 = vector.shape_cast %parallel_loop3A_1206 : vector<16x1xi32> to vector<16xi32>
        %parallel_loop3A_1208 = tpu.dynamic_gather %parallel_loop3A_1132[%parallel_loop3A_1207] in [0] : vector<16xf32>, vector<16xi32> -> vector<16xf32>
        %parallel_loop3A_1209 = arith.addf %parallel_loop3A_1132, %parallel_loop3A_1208 : vector<16xf32>
        %parallel_loop3A_1210 = arith.select %parallel_loop3A_1201, %parallel_loop3A_1205, %parallel_loop3A_1209 : vector<16xi1>, vector<16xf32>
        %parallel_loop3A_1211 = vector.shape_cast %xor3A_7 : vector<16xi32> to vector<16x1xi32>
        %parallel_loop3A_1212 = vector.shape_cast %parallel_loop3A_1211 : vector<16x1xi32> to vector<16xi32>
        %parallel_loop3A_1213 = tpu.dynamic_gather %parallel_loop3A_1159[%parallel_loop3A_1212] in [0] : vector<16xf32>, vector<16xi32> -> vector<16xf32>
        %parallel_loop3A_1214 = arith.addf %parallel_loop3A_1159, %parallel_loop3A_1213 : vector<16xf32>
        %parallel_loop3A_1215 = vector.shape_cast %xor3A_7 : vector<16xi32> to vector<16x1xi32>
        %parallel_loop3A_1216 = vector.shape_cast %parallel_loop3A_1215 : vector<16x1xi32> to vector<16xi32>
        %parallel_loop3A_1217 = tpu.dynamic_gather %parallel_loop3A_1150[%parallel_loop3A_1216] in [0] : vector<16xf32>, vector<16xi32> -> vector<16xf32>
        %parallel_loop3A_1218 = arith.addf %parallel_loop3A_1150, %parallel_loop3A_1217 : vector<16xf32>
        %parallel_loop3A_1219 = arith.select %parallel_loop3A_1201, %parallel_loop3A_1214, %parallel_loop3A_1218 : vector<16xi1>, vector<16xf32>
        %parallel_loop3A_1220 = vector.shape_cast %xor3A_7 : vector<16xi32> to vector<16x1xi32>
        %parallel_loop3A_1221 = vector.shape_cast %parallel_loop3A_1220 : vector<16x1xi32> to vector<16xi32>
        %parallel_loop3A_1222 = tpu.dynamic_gather %parallel_loop3A_1177[%parallel_loop3A_1221] in [0] : vector<16xf32>, vector<16xi32> -> vector<16xf32>
        %parallel_loop3A_1223 = arith.addf %parallel_loop3A_1177, %parallel_loop3A_1222 : vector<16xf32>
        %parallel_loop3A_1224 = vector.shape_cast %xor3A_7 : vector<16xi32> to vector<16x1xi32>
        %parallel_loop3A_1225 = vector.shape_cast %parallel_loop3A_1224 : vector<16x1xi32> to vector<16xi32>
        %parallel_loop3A_1226 = tpu.dynamic_gather %parallel_loop3A_1168[%parallel_loop3A_1225] in [0] : vector<16xf32>, vector<16xi32> -> vector<16xf32>
        %parallel_loop3A_1227 = arith.addf %parallel_loop3A_1168, %parallel_loop3A_1226 : vector<16xf32>
        %parallel_loop3A_1228 = arith.select %parallel_loop3A_1201, %parallel_loop3A_1223, %parallel_loop3A_1227 : vector<16xi1>, vector<16xf32>
        %parallel_loop3A_1229 = vector.shape_cast %xor3A_7 : vector<16xi32> to vector<16x1xi32>
        %parallel_loop3A_1230 = vector.shape_cast %parallel_loop3A_1229 : vector<16x1xi32> to vector<16xi32>
        %parallel_loop3A_1231 = tpu.dynamic_gather %parallel_loop3A_1195[%parallel_loop3A_1230] in [0] : vector<16xf32>, vector<16xi32> -> vector<16xf32>
        %parallel_loop3A_1232 = arith.addf %parallel_loop3A_1195, %parallel_loop3A_1231 : vector<16xf32>
        %parallel_loop3A_1233 = vector.shape_cast %xor3A_7 : vector<16xi32> to vector<16x1xi32>
        %parallel_loop3A_1234 = vector.shape_cast %parallel_loop3A_1233 : vector<16x1xi32> to vector<16xi32>
        %parallel_loop3A_1235 = tpu.dynamic_gather %parallel_loop3A_1186[%parallel_loop3A_1234] in [0] : vector<16xf32>, vector<16xi32> -> vector<16xf32>
        %parallel_loop3A_1236 = arith.addf %parallel_loop3A_1186, %parallel_loop3A_1235 : vector<16xf32>
        %parallel_loop3A_1237 = arith.select %parallel_loop3A_1201, %parallel_loop3A_1232, %parallel_loop3A_1236 : vector<16xi1>, vector<16xf32>
        %parallel_loop3A_1238 = arith.constant 4 : i32
        %parallel_loop3A_1239 = vector.broadcast %parallel_loop3A_1238 : i32 to vector<16xi32>
        %parallel_loop3A_1240 = arith.andi %iota3A, %parallel_loop3A_1239 : vector<16xi32>
        %parallel_loop3A_1241 = arith.constant 0 : i32
        %parallel_loop3A_1242 = vector.broadcast %parallel_loop3A_1241 : i32 to vector<16xi32>
        %parallel_loop3A_1243 = arith.cmpi ne, %parallel_loop3A_1240, %parallel_loop3A_1242 : vector<16xi32>
        %parallel_loop3A_1244 = vector.shape_cast %xor3A_10 : vector<16xi32> to vector<16x1xi32>
        %parallel_loop3A_1245 = vector.shape_cast %parallel_loop3A_1244 : vector<16x1xi32> to vector<16xi32>
        %parallel_loop3A_1246 = tpu.dynamic_gather %parallel_loop3A_1219[%parallel_loop3A_1245] in [0] : vector<16xf32>, vector<16xi32> -> vector<16xf32>
        %parallel_loop3A_1247 = arith.addf %parallel_loop3A_1219, %parallel_loop3A_1246 : vector<16xf32>
        %parallel_loop3A_1248 = vector.shape_cast %xor3A_10 : vector<16xi32> to vector<16x1xi32>
        %parallel_loop3A_1249 = vector.shape_cast %parallel_loop3A_1248 : vector<16x1xi32> to vector<16xi32>
        %parallel_loop3A_1250 = tpu.dynamic_gather %parallel_loop3A_1210[%parallel_loop3A_1249] in [0] : vector<16xf32>, vector<16xi32> -> vector<16xf32>
        %parallel_loop3A_1251 = arith.addf %parallel_loop3A_1210, %parallel_loop3A_1250 : vector<16xf32>
        %parallel_loop3A_1252 = arith.select %parallel_loop3A_1243, %parallel_loop3A_1247, %parallel_loop3A_1251 : vector<16xi1>, vector<16xf32>
        %parallel_loop3A_1253 = vector.shape_cast %xor3A_10 : vector<16xi32> to vector<16x1xi32>
        %parallel_loop3A_1254 = vector.shape_cast %parallel_loop3A_1253 : vector<16x1xi32> to vector<16xi32>
        %parallel_loop3A_1255 = tpu.dynamic_gather %parallel_loop3A_1237[%parallel_loop3A_1254] in [0] : vector<16xf32>, vector<16xi32> -> vector<16xf32>
        %parallel_loop3A_1256 = arith.addf %parallel_loop3A_1237, %parallel_loop3A_1255 : vector<16xf32>
        %parallel_loop3A_1257 = vector.shape_cast %xor3A_10 : vector<16xi32> to vector<16x1xi32>
        %parallel_loop3A_1258 = vector.shape_cast %parallel_loop3A_1257 : vector<16x1xi32> to vector<16xi32>
        %parallel_loop3A_1259 = tpu.dynamic_gather %parallel_loop3A_1228[%parallel_loop3A_1258] in [0] : vector<16xf32>, vector<16xi32> -> vector<16xf32>
        %parallel_loop3A_1260 = arith.addf %parallel_loop3A_1228, %parallel_loop3A_1259 : vector<16xf32>
        %parallel_loop3A_1261 = arith.select %parallel_loop3A_1243, %parallel_loop3A_1256, %parallel_loop3A_1260 : vector<16xi1>, vector<16xf32>
        %parallel_loop3A_1262 = arith.constant 8 : i32
        %parallel_loop3A_1263 = vector.broadcast %parallel_loop3A_1262 : i32 to vector<16xi32>
        %parallel_loop3A_1264 = arith.andi %iota3A, %parallel_loop3A_1263 : vector<16xi32>
        %parallel_loop3A_1265 = arith.constant 0 : i32
        %parallel_loop3A_1266 = vector.broadcast %parallel_loop3A_1265 : i32 to vector<16xi32>
        %parallel_loop3A_1267 = arith.cmpi ne, %parallel_loop3A_1264, %parallel_loop3A_1266 : vector<16xi32>
        %parallel_loop3A_1268 = vector.shape_cast %xor3A_13 : vector<16xi32> to vector<16x1xi32>
        %parallel_loop3A_1269 = vector.shape_cast %parallel_loop3A_1268 : vector<16x1xi32> to vector<16xi32>
        %parallel_loop3A_1270 = tpu.dynamic_gather %parallel_loop3A_1261[%parallel_loop3A_1269] in [0] : vector<16xf32>, vector<16xi32> -> vector<16xf32>
        %parallel_loop3A_1271 = arith.addf %parallel_loop3A_1261, %parallel_loop3A_1270 : vector<16xf32>
        %parallel_loop3A_1272 = vector.shape_cast %xor3A_13 : vector<16xi32> to vector<16x1xi32>
        %parallel_loop3A_1273 = vector.shape_cast %parallel_loop3A_1272 : vector<16x1xi32> to vector<16xi32>
        %parallel_loop3A_1274 = tpu.dynamic_gather %parallel_loop3A_1252[%parallel_loop3A_1273] in [0] : vector<16xf32>, vector<16xi32> -> vector<16xf32>
        %parallel_loop3A_1275 = arith.addf %parallel_loop3A_1252, %parallel_loop3A_1274 : vector<16xf32>
        %parallel_loop3A_1276 = arith.select %parallel_loop3A_1267, %parallel_loop3A_1271, %parallel_loop3A_1275 : vector<16xi1>, vector<16xf32>
        %parallel_loop3A_1277 = arith.addi %multiple_of3A_136, %parallel_loop3A_141 : i32
        %parallel_loop3A_1278 = arith.index_cast %parallel_loop3A_1277 : i32 to index
        %parallel_loop3A_1279 = tpu.vector_load %arg10[%parallel_loop3A_1278] {strides = array<i32>} : memref<10000xf32, #tpu.memory_space<vmem>>, vector<16xf32>,
        tpu.vector_store %arg10[%parallel_loop3A_1278], %parallel_loop3A_1276 {strides = array<i32>} : memref<10000xf32, #tpu.memory_space<vmem>>, vector<16xf32>,
      } {sc.loop_unroll_factor = 1 : i64, sc.parallel_access}
    }
    %scan3A_100 = arith.constant 79 : i32
    "tpu.region"() ({
      %run_scoped3A = tpu.sem_alloc : memref<!tpu.dma_semaphore, #tpu.memory_space<semaphore_mem>>
      %dma_start3A_101 = tpu.memref_slice %arg5[%multiple_of3A] : memref<320000xf32, #tpu.memory_space<hbm>> -> memref<10000xf32, #tpu.memory_space<hbm>>
      %dma_start3A_102 = tpu.memref_slice %arg5[%multiple_of3A] : memref<320000xf32, #tpu.memory_space<hbm>> -> memref<10000xf32, #tpu.memory_space<hbm>>
      tpu.enqueue_dma source(%arg10 : memref<10000xf32, #tpu.memory_space<vmem>>) target(%dma_start3A_102 : memref<10000xf32, #tpu.memory_space<hbm>>) target_semaphore(%run_scoped3A : memref<!tpu.dma_semaphore, #tpu.memory_space<semaphore_mem>>)
      %dma_wait3A = tpu.memref_slice %arg5[%multiple_of3A] : memref<320000xf32, #tpu.memory_space<hbm>> -> memref<10000xf32, #tpu.memory_space<hbm>>
      %dma_wait3A_103 = tpu.memref_slice %arg5[%multiple_of3A] : memref<320000xf32, #tpu.memory_space<hbm>> -> memref<10000xf32, #tpu.memory_space<hbm>>
      tpu.wait_dma2 semaphore(%run_scoped3A : memref<!tpu.dma_semaphore, #tpu.memory_space<semaphore_mem>>) src(%arg10 : memref<10000xf32, #tpu.memory_space<vmem>>) dst(%dma_wait3A_103 : memref<10000xf32, #tpu.memory_space<hbm>>)
      tpu.yield
    }) : () -> ()
    return
  }
}

</mosaic_0001>

<sc_bundles>
// kernel: kernel.3.cloned.1.call-start
scs
__scs_entry_jumppad:
0x0: {  	(pc) =	sbr.rel $0x88, $3  }
0x1: {  	(tag) =	ssettag $0x0;
	lr =	simm.s32 $0x1  }
0x2: {  	[smem:$0x3F9E] =	sst lr;
	_ =	strace $0xD0000000  }
0x3: {  	_ = 	snop  }
0x4: {  	_ = 	snop  }
0x5: {  	_ = 	snop  }
0x6: {  	_ = 	snop  }
0x7: {  	_ = 	snop  }
__scs_overlays_trampoline_lowered:
0x8: {  	[smem:$0x3FAD] =	sst s0  }
0x9: {  	[smem:$0x3FAE] =	sst s1  }
0xa: {  	[smem:$0x3FAF] =	sst s2  }
0xb: {  	[smem:$0x3FB0] =	sst s3  }
0xc: {  	[smem:$0x3FB1] =	sst s4  }
0xd: {  	[smem:$0x3FB2] =	sst s5  }
0xe: {  	[smem:$0x3FB3] =	sst s6  }
0xf: {  	[smem:$0x3FB4] =	sst s7  }
0x10: {  	[smem:$0x3FB5] =	sst s8  }
0x11: {  	[smem:$0x3FB6] =	sst s9;
	s0 =	simm.s32 @!p0 $0x0  }
0x12: {  	s1 =	sld [smem:$0x3F9C];
	s0 =	simm.s32 @p0 $0x1  }
0x13: {  	[smem:$0x3FB7] =	sst s0;
	s0 =	simm.s32 @!p1 $0x0  }
0x14: {  	s2 =	sld [smem:$0x3F9B];
	s0 =	simm.s32 @p1 $0x1  }
0x15: {  	[smem:$0x3FB8] =	sst s0;
	s0 =	simm.s32 @!p2 $0x0  }
0x16: {  	s3 =	sld [smem:$0x3FDB];
	s0 =	simm.s32 @p2 $0x1  }
0x17: {  	s4 =	simm.s32 $0x1BF5;
	[smem:$0x3FBA] =	sst s0  }
0x18: {  	s0 =	sld [smem:$0x3F9D];
	_ =	swait.ge [sflag:s4], $0x0  }
0x19: {  	s7 =	sld [smem:$0x3F9E]  }
0x1a: {  	s8 =	sadd.s32 $0xFFFFE003, lr  }
0x1b: {  	s9 =	sadd.s32 $0xFFFFFEF7, lr;
	s5 =	simm.s32 $0xFFFFFFFF;
	p2 =	slt.u32 s8, $0xFFFFF086  }
0x1c: {  	p1 =	slt.u32 s9, $0xF7A;
	s5 =	simm.s32 @!p2 $0x0  }
0x1d: {  	s5 =	simm.s32 @p1 $0x1;
	p0 =	seq.s32 s7, s2  }
0x1e: {  	s7 =	smul.u32 @!p0 $0xF7A, s2;
	p2 =	seq.s32 @!p0 s5, $0x0  }
0x1f: {  	s9 =	smul.u32 $0xF7A, s1;
	s8 =	simm.s32 @!p0 $0x1BF5;
	p2 =	por !p2, p0  }
0x20: {  	[sflag:s8] =	ssyncset.s32 @!p0 $0xFFFFF086;
	s6 =	sadd.s32 @!p0 s3, s7;
	s7 =	simm.s32 @!p0 $0x108  }
0x21: {  	s3 =	sadd.s32 s3, s9;
	s6 =	sadd.s32 @!p0 $0x88, s6;
	s7 =	simm.s32 @p2 $0x1082  }
0x22: {  	[simem:s7], [sflag:s8] =	dma.local @!p0 [hbm:s6], $0xF7A  }
0x23: {  	s9 =	sor.u32 $0xD0000000, s2;
	s6 =	simm.s32 $0x108;
	_ =	swait.ge @!p0 [sflag:s8], $0x0  }
0x24: {  	s3 =	sadd.s32 $0x88, s3;
	s6 =	simm.s32 @!p1 $0x1082;
	[sflag:s4] =	ssyncset.s32 $0xFFFFF086  }
0x25: {  	[simem:s6], [sflag:s4] =	dma.local [hbm:s3], $0xF7A  }
0x26: {  	[smem:$0x3F9E] =	sst s1;
	(tag) =	ssettag s2;
	_ =	strace s9  }
0x27: {  	s1 =	sld [smem:$0x3FAE]  }
0x28: {  	s2 =	sld [smem:$0x3FAF]  }
0x29: {  	s4 =	sld [smem:$0x3FB1]  }
0x2a: {  	p0 =	seq.s32 s5, $0x0;
	s5 =	sld [smem:$0x3FB2]  }
0x2b: {  	s6 =	sld [smem:$0x3FB3]  }
0x2c: {  	s7 =	sld [smem:$0x3FB4]  }
0x2d: {  	s3 =	simm.s32 $0x108;
	s8 =	sld [smem:$0x3FB5]  }
0x2e: {  	s3 =	simm.s32 @!p0 $0x1082;
	s9 =	sld [smem:$0x3FB6]  }
0x2f: {  	lr =	sadd.s32 s0, s3;
	s0 =	sld [smem:$0x3FAD]  }
0x30: {  	s3 =	sld [smem:$0x3FB0]  }
0x31: {  	[smem:$0x3FB9] =	sst s10  }
0x32: {  	s10 =	sld [smem:$0x3FB7];
	_ =	sdelay $0x3  }
0x33: {  	p0 =	seq.s32 s10, $0x1;
	s10 =	sld [smem:$0x3FB9];
	_ =	sdelay $0x3  }
0x34: {  	[smem:$0x3FB9] =	sst s10  }
0x35: {  	s10 =	sld [smem:$0x3FB8];
	_ =	sdelay $0x3  }
0x36: {  	p1 =	seq.s32 s10, $0x1;
	s10 =	sld [smem:$0x3FB9];
	_ =	sdelay $0x3  }
0x37: {  	[smem:$0x3FB9] =	sst s10  }
0x38: {  	s10 =	sld [smem:$0x3FBA]  }
0x39: {  	_ = 	snop;
	(pc) =	sbr.ind lr, $3  }
0x3a: {  	_ = 	snop  }
0x3b: {  	_ = 	snop  }
0x3c: {  	p2 =	seq.s32 s10, $0x1;
	s10 =	sld [smem:$0x3FB9]  }
0x3d: {  	_ =	shalt  }
0x3e: {  	_ =	shalt  }
0x3f: {  	_ =	shalt  }
0x40: {  	_ =	shalt  }
0x41: {  	_ =	shalt  }
0x42: {  	_ =	shalt  }
0x43: {  	_ =	shalt  }
0x44: {  	_ =	shalt  }
0x45: {  	_ =	shalt  }
0x46: {  	_ =	shalt  }
0x47: {  	_ =	shalt  }
0x48: {  	_ =	shalt  }
0x49: {  	_ =	shalt  }
0x4a: {  	_ =	shalt  }
0x4b: {  	_ =	shalt  }
0x4c: {  	_ =	shalt  }
0x4d: {  	_ =	shalt  }
0x4e: {  	_ =	shalt  }
0x4f: {  	_ =	shalt  }
0x50: {  	_ =	shalt  }
0x51: {  	_ =	shalt  }
0x52: {  	_ =	shalt  }
0x53: {  	_ =	shalt  }
0x54: {  	_ =	shalt  }
0x55: {  	_ =	shalt  }
0x56: {  	_ =	shalt  }
0x57: {  	_ =	shalt  }
0x58: {  	_ =	shalt  }
0x59: {  	_ =	shalt  }
0x5a: {  	_ =	shalt  }
0x5b: {  	_ =	shalt  }
0x5c: {  	_ =	shalt  }
0x5d: {  	_ =	shalt  }
0x5e: {  	_ =	shalt  }
0x5f: {  	_ =	shalt  }
0x60: {  	_ =	shalt  }
0x61: {  	_ =	shalt  }
0x62: {  	_ =	shalt  }
0x63: {  	_ =	shalt  }
0x64: {  	_ =	shalt  }
0x65: {  	_ =	shalt  }
0x66: {  	_ =	shalt  }
0x67: {  	_ =	shalt  }
0x68: {  	_ =	shalt  }
0x69: {  	_ =	shalt  }
0x6a: {  	_ =	shalt  }
0x6b: {  	_ =	shalt  }
0x6c: {  	_ =	shalt  }
0x6d: {  	_ =	shalt  }
0x6e: {  	_ =	shalt  }
0x6f: {  	_ =	shalt  }
0x70: {  	_ =	shalt  }
0x71: {  	_ =	shalt  }
0x72: {  	_ =	shalt  }
0x73: {  	_ =	shalt  }
0x74: {  	_ =	shalt  }
0x75: {  	_ =	shalt  }
0x76: {  	_ =	shalt  }
0x77: {  	_ =	shalt  }
0x78: {  	_ =	shalt  }
0x79: {  	_ =	shalt  }
0x7a: {  	_ =	shalt  }
0x7b: {  	_ =	shalt  }
0x7c: {  	_ =	shalt  }
0x7d: {  	_ =	shalt  }
0x7e: {  	_ =	shalt  }
0x7f: {  	_ =	shalt  }
0x80: {  	_ =	shalt  }
0x81: {  	_ =	shalt  }
0x82: {  	_ =	shalt  }
0x83: {  	_ =	shalt  }
0x84: {  	_ =	shalt  }
0x85: {  	_ =	shalt  }
0x86: {  	_ =	shalt  }
0x87: {  	_ =	shalt  }
.Lfunc_end0:
.L_simem_size_0:
called_computation_lowered:
.L_overlay_start_0:
0x88: {  	s2 =	sld [smem:$0x3FD9]  }
0x89: {  	s3 =	sld [smem:$0x3FFE];
	_ =	sdelay $0x1  }
0x8a: {  	s1 =	srdreg.scid  }
0x8b: {  	s0 =	sand.u32 $0x1, s1  }
0x8c: {  	s17 =	sshll.u32 s0, $0xA;
	s2 =	sadd.s32 s3, s2  }
0x8d: {  	s2 =	sadd.s32 s2, s17  }
0x8e: {  	[smem:$0x3FC5] =	sst s2  }
0x8f: {  	_ = 	snop  }
0x90: {  	s2 =	sld [smem:$0x3FC8]  }
0x91: {  	s18 =	sld [smem:$0x3FC7]  }
0x92: {  	s4 =	sld [smem:$0x3FD0];
	(tm) =	ssettm $0x1  }
0x93: {  	s5 =	sld [smem:$0x3FFB];
	_ =	sdelay $0x3  }
0x94: {  	_ =	strace s5  }
0x95: {  	s5 =	sld [smem:$0x3FFC];
	_ =	sdelay $0x3  }
0x96: {  	_ =	strace s5  }
0x97: {  	s5 =	sld [smem:$0x3FFD];
	_ =	sdelay $0x3  }
0x98: {  	_ =	strace s5  }
0x99: {  	_ =	strace $0x8FFFFFFF  }
0x9a: {  	s19 =	sld [smem:$0x3FDB];
	_ =	sdelay $0x1  }
0x9b: {  	s6 =	simm.s32 $_scs_section_size  }
0x9c: {  	s7 =	simm.s32 $_size__tile_overlayer_lowered;
	s8 =	simm.s32 $_tile_overlayer_lowered  }
0x9d: {  	s22 =	simm.s32 $0x1BFF;
	s21 =	sshll.u32 s8, $0x1;
	s5 =	sadd.s32 s6, s19  }
0x9e: {  	s9 =	simm.s32 $0x0;
	s20 =	sshll.u32 s7, $0x1;
	s7 =	sadd.s32 s21, s5  }
0x9f: {  	[timem:s9], [sflag:s22] =	dma.local [hbm:s7], s20  }
0xa0: {  	_ =	swait.ge [sflag:s22], s20  }
0xa1: {  	s6 =	ssub.s32 $0x0, s20;
	[sflag:s22] =	ssyncset.done $0x0  }
0xa2: {  	[sflag:s22] =	ssyncadd.s32 s6;
	_ =	sdelay $0x1  }
0xa3: {  	s23 =	simm.s32 $0x1B8B  }
0xa4: {  	_ =	swait.ge [sflag:s23], $0x1  }
0xa5: {  	[sflag:s23] =	ssyncset.done $0x0  }
0xa6: {  	s25 =	simm.s32 $0x1B8E;
	s24 =	sld [smem:$0x3FFE];
	[sflag:s23] =	ssyncadd.s32 $0xFFFFFFFF  }
0xa7: {  	s26 =	simm.s32 $execute0_lowered;
	[smem:$0x3FD2] =	sst s25  }
0xa8: {  	s7 =	sshll.u32 s26, $0x1;
	_ =	strace $0x80000046;
	[dreg:$0x1] =	wrdreg $0xFFFFFFFF  }
0xa9: {  	s28 =	simm.s32 $_size_execute0_lowered;
	s5 =	sadd.s32 s5, s7;
	[dreg:$0x0] =	wrdreg $0x0  }
0xaa: {  	s7 =	sshll.u32 s28, $0x1;
	[dreg:$0x2] =	wrdreg s5  }
0xab: {  	[dreg:$0x3] =	wrdreg s7  }
0xac: {  	[dreg:$0x4] =	wrdreg $0xC0  }
0xad: {  	_ =	task [dreg:s9], $0x5FFFF  }
0xae: {  	[dreg:$0x1] =	wrdreg $0xFFFFFFFF  }
0xaf: {  	[dreg:$0x0] =	wrdreg $0x60  }
0xb0: {  	[dreg:$0x2] =	wrdreg s24  }
0xb1: {  	[dreg:$0x3] =	wrdreg s2  }
0xb2: {  	[dreg:$0x4] =	wrdreg s18  }
0xb3: {  	[dreg:$0x5] =	wrdreg s4  }
0xb4: {  	[dreg:$0x6] =	wrdreg $0x9  }
0xb5: {  	_ =	task.clear_ibuf [dreg:s9], $0x7FFFF;
	_ =	strace $0x90000046  }
0xb6: {  	s29 =	simm.s32 $0x9;
	_ =	strace $0x80000048  }
0xb7: {  	_ =	swait.ge [sflag:s29], $0x1  }
0xb8: {  	[sflag:s29] =	ssyncadd.s32 $0xFFFFFFFF  }
0xb9: {  	_ =	strace $0x90000048  }
0xba: {  	_ =	sfence  }
0xbb: {  	s30 =	sld [smem:$0x0];
	_ =	sdelay $0x2  }
0xbc: {  	s31 =	sshll.u32 s1, $0xD;
	s1 =	sshrl.u32 s1, $0x2  }
0xbd: {  	s3 =	sand.u32 $0x4000, s31;
	s1 =	sadd.s32 s1, s30  }
0xbe: {  	s0 =	sor.u32 s3, s0;
	s1 =	sshll.u32 s1, $0x11  }
0xbf: {  	s0 =	sor.u32 s1, s0  }
0xc0: {  	s0 =	sadd.s32 $0x8F2B, s0  }
0xc1: {  	[sflag:s0] =	ssyncadd.remote.s32 $0x1  }
0xc2: {  	_ =	sfence.sel $0xFFFF  }
0xc3: {  	[dreg:$0x0] =	wrdreg $0xFFFFFFFF;
	(pc) =	sbr.abs _section_cstart, $3  }
0xc4: {  	[dreg:$0x1] =	wrdreg $0xFFFFFFFF  }
0xc5: {  	_ =	task.clear_ibuf [dreg:s9], $0x2FFFF;
	_ =	strace $0x9FFFFFFF  }
0xc6: {  	(tm) =	ssettm $0x7FFFFFFF  }
0xc7: {  	_ =	shalt  }
tec
execute0_lowered:
.L_overlay_start_1:
0x0: {  	(tag) =	ssettag $0x1  }
0x1: {  	v0 =	vimm.s32 $0xEFCDAB89  }
0x2: {  	vm0 =	vcmask $0xB08;
	vm1 =	vcmask $0x300;
	v1 =	vimm.s32 $0x67452301  }
0x3: {  	v2 =	vimm.s32 $0xDCFE98BA;
	v3 =	vimm.s32 $0x54761032;
	vm2 =	vcmask $0x700  }
0x4: {  	vm3 =	vcmask $0x3B38;
	v4 =	vimm.s32 $0xFEDCBA98;
	v5 =	vimm.s32 $0x76543210  }
0x5: {  	v0 =	vunpack.c.l.s4.s8 v0;
	vm0 =	vmor vm1, vm0;
	vm1 =	vcmask $0x1310  }
0x6: {  	v1 =	vunpack.c.l.s4.s8 v1;
	v2 =	vunpack.c.l.s4.s8 v2;
	v3 =	vunpack.c.l.s4.s8 v3  }
0x7: {  	s0 =	rddreg [dreg:$0x0];
	v4 =	vunpack.c.l.s4.s8 v4;
	vm0 =	vmor vm0, vm1;
	vm1 =	vcmask $0x1B18  }
0x8: {  	s4 =	rddreg [dreg:$0x1];
	v0 =	vunpack.c.0.s8.s32 v0;
	vm0 =	vmor vm0, vm1;
	vm1 =	vcmask $0x2320  }
0x9: {  	s5 =	rddreg [dreg:$0x2];
	v1 =	vunpack.c.0.s8.s32 v1;
	vm0 =	vmor vm0, vm1;
	vm1 =	vcmask $0x2B28  }
0xa: {  	s6 =	rddreg [dreg:$0x3];
	s3 =	srdreg.scid;
	v4 =	vunpack.c.0.s8.s32 v4;
	vm0 =	vmor vm0, vm1;
	vm1 =	vcmask $0x3330  }
0xb: {  	s1 =	stileid.u32;
	s2 =	simm.s32 $0x0;
	s11 =	simm.s32 $0x4E20;
	v0 =	vcombine.low v1, v0;
	v1 =	vunpack.c.0.s8.s32 v2;
	v2 =	vunpack.c.0.s8.s32 v3  }
0xc: {  	s10 =	simm.s32 $0x80;
	s12 =	simm.s32 $0xCE20;
	s13 =	simm.s32 $0x6E20;
	v3 =	vimm.s32 $0x32107654;
	vm0 =	vmor vm0, vm1;
	vm1 =	vcmask $0x1710  }
0xd: {  	s14 =	simm.s32 $0x2790;
	s15 =	simm.s32 $0xEE20;
	s16 =	simm.s32 $0x100;
	v3 =	vunpack.c.l.s4.s8 v3;
	v1 =	vcombine.low v2, v1;
	v2 =	vimm.s32 $0xBA98FEDC  }
0xe: {  	s17 =	simm.s32 $0x8E20;
	s18 =	simm.s32 $0x2810;
	s19 =	simm.s32 $0x10E20;
	vm1 =	vmor vm2, vm1;
	vm2 =	vcmask $0x2720;
	v2 =	vunpack.c.l.s4.s8 v2  }
0xf: {  	s20 =	simm.s32 $0x14E20;
	s3 =	sand.u32 $0x1, s3;
	s7 =	sshll.u32 s1, $0x1;
	v5 =	vunpack.c.l.s4.s8 v5;
	v4 =	vand.u32 $0xF, v4;
	vm1 =	vmor vm1, vm2  }
0x10: {  	s21 =	simm.s32 $0x0;
	s8 =	ssub.s32 $0x2, s3;
	s7 =	sor.u32 s3, s7;
	vm2 =	vcmask $0x3730;
	v3 =	vunpack.c.0.s8.s32 v3;
	v2 =	vunpack.c.0.s8.s32 v2  }
0x11: {  	[smem:$0x7FF] =	sst s2;
	s9 =	sshrl.u32 s8, $0x1;
	s7 =	smul.u32 $0x4E2, s7;
	vm0 =	vmor vm0, vm3;
	vm3 =	vcmask $0xF00;
	vm1 =	vmor vm1, vm2  }
0x12: {  	s3 =	rddreg [dreg:$0x4];
	_ =	strace $0x80000047;
	s8 =	ssub.s32 s8, s9;
	vm2 =	vcmask $0x2F20;
	v2 =	vcombine.low v3, v2;
	v3 =	vunpack.c.0.s8.s32 v5  }
0x13: {  	s9 =	simm.s32 $0x2710;
	s4 =	sadd.s32 s4, s7;
	s5 =	sadd.s32 s5, s7;
	v0 =	vand.u32 $0xF, v0;
	v1 =	vand.u32 $0xF, v1;
	vm2 =	vmor vm3, vm2  }
0x14: {  	s6 =	sadd.s32 s6, s7;
	s7 =	smax.u32 s8, $0x1;
	s8 =	simm.s32 $0x5;
	vm3 =	vmmov $0xff;
	v2 =	vand.u32 $0xF, v2;
	v3 =	vcombine.low v4, v3  }
.LBB2_1:
0x15: {  	[tilespmem:s2], [sflag:$0x5] =	stream.linear.gather [hbm4b:s4+s2], $0x2710, $0x38;
	[tilespmem:$0x17530] =	vst v63  }
0x16: {  	_ =	swait.ge [sflag:s8], $0x2710  }
0x17: {  	[sflag:s8] =	ssyncset.done $0x0  }
0x18: {  	[sflag:s8] =	ssyncadd.s32 $0xFFFFD8F0  }
0x19: {  	[tilespmem:s9], [sflag:$0x5] =	stream.linear.gather [hbm4b:s5+s2], $0x2710, $0x38;
	[tilespmem:$0x17530] =	vst v63  }
0x1a: {  	_ =	swait.ge [sflag:s8], $0x2710  }
0x1b: {  	[sflag:s8] =	ssyncset.done $0x0  }
0x1c: {  	[sflag:s8] =	ssyncadd.s32 $0xFFFFD8F0  }
0x1d: {  	[tilespmem:s11], [sflag:$0x1] =	stream.indirect.gather [hbm4b:s0+s10], $0x40, s2, s10, $0xb8;
	[tilespmem:$0x17530] =	vst v63  }
0x1e: {  	_ = 	snop  }
0x1f: {  	[tilespmem:s12], [sflag:$0x1] =	stream.indirect.gather [hbm4b:s0+s10], $0x40, s9, s10, $0xb8;
	[tilespmem:$0x17530] =	vst v63  }
0x20: {  	_ = 	snop  }
0x21: {  	[tilespmem:s13], [sflag:$0x2] =	stream.indirect.gather [hbm4b:s0+s10], $0x40, s10, s10, $0xb8;
	[tilespmem:$0x17530] =	vst v63  }
0x22: {  	_ = 	snop  }
0x23: {  	[tilespmem:s15], [sflag:$0x2] =	stream.indirect.gather [hbm4b:s0+s10], $0x40, s14, s10, $0xb8;
	[tilespmem:$0x17530] =	vst v63  }
0x24: {  	_ = 	snop  }
0x25: {  	[tilespmem:s17], [sflag:$0x3] =	stream.indirect.gather [hbm4b:s0+s10], $0x40, s16, s10, $0xb8;
	[tilespmem:$0x17530] =	vst v63  }
0x26: {  	s22 =	simm.s32 $0x0;
	s23 =	simm.s32 $0x0;
	s24 =	simm.s32 $0x0  }
0x27: {  	[tilespmem:s19], [sflag:$0x3] =	stream.indirect.gather [hbm4b:s0+s10], $0x40, s18, s10, $0xb8;
	[tilespmem:$0x17530] =	vst v63  }
.LBB2_2:
0x28: {  	p0 =	sgt.u32 s24, $0x4B  }
0x29: {  	s25 =	sadd.s32 @!p0 $0x3, s24  }
0x2a: {  	s26 =	sand.u32 @!p0 $0x3, s25  }
0x2b: {  	s30 =	simm.s32 @!p0 $0x80;
	s25 =	sshll.u32 @!p0 s25, $0x7;
	s28 =	sshll.u32 @!p0 s26, $0xD  }
0x2c: {  	s25 =	smin.u32 @!p0 s25, $0x2690;
	s26 =	sadd.s32 @!p0 $0x1, s26;
	s29 =	sadd.s32 @!p0 $0x4E20, s28  }
0x2d: {  	[tilespmem:s29], [sflag:s26] =	stream.indirect.gather @!p0 [hbm4b:s0+s30], $0x40, s25, s30, $0xb8;
	[tilespmem:$0x17530] =	vst v63  }
0x2e: {  	s31 =	sand.u32 $0x3, s24;
	s28 =	sadd.s32 @!p0 $0xCE20, s28;
	s25 =	sadd.s32 @!p0 $0x2710, s25  }
0x2f: {  	[tilespmem:s28], [sflag:s26] =	stream.indirect.gather @!p0 [hbm4b:s0+s30], $0x40, s25, s30, $0xb8;
	[tilespmem:$0x17530] =	vst v63  }
0x30: {  	s26 =	sadd.s32 $0x1, s31;
	s30 =	sshll.u32 s22, $0xD  }
0x31: {  	_ =	swait.ge [sflag:s26], $0x2000;
	s25 =	sand.u32 $0x6000, s30  }
0x32: {  	[sflag:s26] =	ssyncset.done $0x0;
	s29 =	sadd.s32 $0x5020, s25  }
0x33: {  	[sflag:s26] =	ssyncadd.s32 $0xFFFFE000;
	v4 =	vmov s29  }
0x34: {  	_ =	swait.ge [sflag:s26], $0x2000  }
0x35: {  	s28 =	smin.u32 s23, $0x2690;
	s31 =	sadd.s32 $0xD020, s25;
	[sflag:s26] =	ssyncset.done $0x0  }
0x36: {  	s25 =	sadd.s32 $0x14E20, s28;
	v5 =	vmov s31;
	[sflag:s26] =	ssyncadd.s32 $0xFFFFE000;
	s26 =	simm.s32 $0x0  }
.LBB2_3:
0x37: {  	s28 =	sshra.s32 s26, $0x2  }
0x38: {  	v6 =	vld.idx.msk [tilespmem:v4+s28+$0xFFFFFE00 ss:$0x1], $0xffff  }
0x39: {  	v7 =	vld.idx.msk [tilespmem:v4+s28+$0xFFFFFE10 ss:$0x1], $0xffff  }
0x3a: {  	v8 =	vld.idx.msk [tilespmem:v4+s28+$0xFFFFFE20 ss:$0x1], $0xffff  }
0x3b: {  	v9 =	vld.idx.msk [tilespmem:v4+s28+$0xFFFFFE30 ss:$0x1], $0xffff  }
0x3c: {  	v10 =	vld.idx.msk [tilespmem:v5+s28+$0xFFFFFE00 ss:$0x1], $0xffff  }
0x3d: {  	v11 =	vld.idx.msk [tilespmem:v5+s28+$0xFFFFFE10 ss:$0x1], $0xffff  }
0x3e: {  	v12 =	vld.idx.msk [tilespmem:v5+s28+$0xFFFFFE20 ss:$0x1], $0xffff  }
0x3f: {  	v13 =	vld.idx.msk [tilespmem:v5+s28+$0xFFFFFE30 ss:$0x1], $0xffff  }
0x40: {  	v14 =	vld.idx.msk [tilespmem:v4+s28+$0xFFFFFE40 ss:$0x1], $0xffff  }
0x41: {  	v15 =	vld.idx.msk [tilespmem:v4+s28+$0xFFFFFE50 ss:$0x1], $0xffff  }
0x42: {  	v16 =	vld.idx.msk [tilespmem:v4+s28+$0xFFFFFE60 ss:$0x1], $0xffff  }
0x43: {  	v17 =	vld.idx.msk [tilespmem:v4+s28+$0xFFFFFE70 ss:$0x1], $0xffff  }
0x44: {  	v18 =	vld.idx.msk [tilespmem:v5+s28+$0xFFFFFE40 ss:$0x1], $0xffff  }
0x45: {  	v19 =	vld.idx.msk [tilespmem:v5+s28+$0xFFFFFE50 ss:$0x1], $0xffff  }
0x46: {  	v20 =	vld.idx.msk [tilespmem:v5+s28+$0xFFFFFE60 ss:$0x1], $0xffff  }
0x47: {  	v21 =	vld.idx.msk [tilespmem:v5+s28+$0xFFFFFE70 ss:$0x1], $0xffff  }
0x48: {  	v22 =	vld.idx.msk [tilespmem:v4+s28+$0xFFFFFE80 ss:$0x1], $0xffff  }
0x49: {  	v23 =	vld.idx.msk [tilespmem:v4+s28+$0xFFFFFE90 ss:$0x1], $0xffff  }
0x4a: {  	v24 =	vld.idx.msk [tilespmem:v4+s28+$0xFFFFFEA0 ss:$0x1], $0xffff  }
0x4b: {  	v25 =	vld.idx.msk [tilespmem:v4+s28+$0xFFFFFEB0 ss:$0x1], $0xffff  }
0x4c: {  	v26 =	vld.idx.msk [tilespmem:v5+s28+$0xFFFFFE80 ss:$0x1], $0xffff  }
0x4d: {  	v27 =	vld.idx.msk [tilespmem:v5+s28+$0xFFFFFE90 ss:$0x1], $0xffff  }
0x4e: {  	v28 =	vld.idx.msk [tilespmem:v5+s28+$0xFFFFFEA0 ss:$0x1], $0xffff  }
0x4f: {  	v29 =	vld.idx.msk [tilespmem:v5+s28+$0xFFFFFEB0 ss:$0x1], $0xffff  }
0x50: {  	v30 =	vld.idx.msk [tilespmem:v4+s28+$0xFFFFFEC0 ss:$0x1], $0xffff  }
0x51: {  	v31 =	vld.idx.msk [tilespmem:v4+s28+$0xFFFFFED0 ss:$0x1], $0xffff  }
0x52: {  	v32 =	vld.idx.msk [tilespmem:v4+s28+$0xFFFFFEE0 ss:$0x1], $0xffff  }
0x53: {  	v33 =	vld.idx.msk [tilespmem:v4+s28+$0xFFFFFEF0 ss:$0x1], $0xffff  }
0x54: {  	v34 =	vld.idx.msk [tilespmem:v5+s28+$0xFFFFFEC0 ss:$0x1], $0xffff  }
0x55: {  	v35 =	vld.idx.msk [tilespmem:v5+s28+$0xFFFFFED0 ss:$0x1], $0xffff  }
0x56: {  	v36 =	vld.idx.msk [tilespmem:v5+s28+$0xFFFFFEE0 ss:$0x1], $0xffff  }
0x57: {  	v37 =	vld.idx.msk [tilespmem:v5+s28+$0xFFFFFEF0 ss:$0x1], $0xffff;
	v6 =	vmul.bf16 v10, v6;
	v7 =	vmul.bf16 v11, v7  }
0x58: {  	v40 =	vld.idx.msk [tilespmem:v4+s28+$0xFFFFFF30 ss:$0x1], $0xffff;
	v8 =	vmul.bf16 v12, v8;
	v9 =	vmul.bf16 v13, v9  }
0x59: {  	v42 =	vld.idx.msk [tilespmem:v5+s28+$0xFFFFFF00 ss:$0x1], $0xffff;
	v43 =	vmul.bf16 v18, v14;
	v15 =	vmul.bf16 v19, v15  }
0x5a: {  	v60 =	vld.idx.msk [tilespmem:v5+s28+$0xFFFFFFA0 ss:$0x1], $0xffff;
	v16 =	vmul.bf16 v20, v16;
	v17 =	vmul.bf16 v21, v17  }
0x5b: {  	v10 =	vld.idx.msk [tilespmem:v4+s28+$0xFFFFFF00 ss:$0x1], $0xffff;
	v48 =	vmul.bf16 v26, v22;
	v50 =	vmul.bf16 v27, v23  }
0x5c: {  	v11 =	vld.idx.msk [tilespmem:v4+s28+$0xFFFFFF10 ss:$0x1], $0xffff;
	v51 =	vmul.bf16 v28, v24;
	v25 =	vmul.bf16 v29, v25  }
0x5d: {  	v13 =	vld.idx.msk [tilespmem:v4+s28+$0xFFFFFF20 ss:$0x1], $0xffff;
	v53 =	vmul.bf16 v34, v30;
	v55 =	vmul.bf16 v35, v31  }
0x5e: {  	v14 =	vld.idx.msk [tilespmem:v5+s28+$0xFFFFFF10 ss:$0x1], $0xffff;
	v57 =	vmul.bf16 v36, v32;
	v58 =	vmul.bf16 v37, v33;
	v63 =	vunpack.i.u.bf16.f32 v6  }
0x5f: {  	v18 =	vld.idx.msk [tilespmem:v5+s28+$0xFFFFFF20 ss:$0x1], $0xffff;
	v6 =	vunpack.i.l.bf16.f32 v6;
	v38 =	vunpack.i.u.bf16.f32 v7;
	v7 =	vunpack.i.l.bf16.f32 v7  }
0x60: {  	v20 =	vld.idx.msk [tilespmem:v5+s28+$0xFFFFFF30 ss:$0x1], $0xffff;
	v39 =	vunpack.i.u.bf16.f32 v8;
	v8 =	vunpack.i.l.bf16.f32 v8;
	v41 =	vunpack.i.u.bf16.f32 v9  }
0x61: {  	v21 =	vld.idx.msk [tilespmem:v4+s28+$0xFFFFFF40 ss:$0x1], $0xffff;
	v9 =	vunpack.i.l.bf16.f32 v9;
	v44 =	vunpack.i.u.bf16.f32 v43;
	v12 =	vunpack.i.l.bf16.f32 v43  }
0x62: {  	v19 =	vld.idx.msk [tilespmem:v4+s28+$0xFFFFFF50 ss:$0x1], $0xffff;
	v45 =	vunpack.i.u.bf16.f32 v15;
	v15 =	vunpack.i.l.bf16.f32 v15;
	v46 =	vunpack.i.u.bf16.f32 v16  }
0x63: {  	v24 =	vld.idx.msk [tilespmem:v5+s28+$0xFFFFFF60 ss:$0x1], $0xffff;
	v16 =	vunpack.i.l.bf16.f32 v16;
	v47 =	vunpack.i.u.bf16.f32 v17;
	v17 =	vunpack.i.l.bf16.f32 v17  }
0x64: {  	v27 =	vld.idx.msk [tilespmem:v5+s28+$0xFFFFFF70 ss:$0x1], $0xffff;
	v22 =	vunpack.i.u.bf16.f32 v48;
	v52 =	vunpack.i.u.bf16.f32 v50;
	v28 =	vunpack.i.u.bf16.f32 v51  }
0x65: {  	v26 =	vld.idx.msk [tilespmem:v4+s28+$0xFFFFFF90 ss:$0x1], $0xffff;
	v23 =	vunpack.i.l.bf16.f32 v51;
	v29 =	vunpack.i.u.bf16.f32 v25;
	v6 =	vadd.f32 v6, v63  }
0x66: {  	v32 =	vld.idx.msk [tilespmem:v5+s28+$0xFFFFFF90 ss:$0x1], $0xffff;
	v25 =	vunpack.i.l.bf16.f32 v25;
	v7 =	vadd.f32 v7, v38;
	v8 =	vadd.f32 v8, v39  }
0x67: {  	v33 =	vld.idx.msk [tilespmem:v4+s28+$0xFFFFFFD0 ss:$0x1], $0xffff;
	v61 =	vunpack.i.u.bf16.f32 v57;
	v9 =	vadd.f32 v9, v41;
	v12 =	vadd.f32 v12, v44  }
0x68: {  	v34 =	vld.idx.msk [tilespmem:v4+s28+$0xA0 ss:$0x1], $0xffff;
	v30 =	vunpack.i.l.bf16.f32 v57;
	v15 =	vadd.f32 v15, v45;
	v16 =	vadd.f32 v16, v46  }
0x69: {  	v62 =	vunpack.i.u.bf16.f32 v58;
	v51 =	vld.idx.msk [tilespmem:v5+s28+$0xFFFFFFF0 ss:$0x1], $0xffff;
	v17 =	vadd.f32 v17, v47;
	v23 =	vadd.f32 v23, v28  }
0x6a: {  	v31 =	vunpack.i.l.bf16.f32 v58;
	v57 =	vld.idx.msk [tilespmem:v5+s28+$0x10 ss:$0x1], $0xffff;
	v25 =	vadd.f32 v25, v29;
	v30 =	vadd.f32 v30, v61  }
0x6b: {  	v56 =	vunpack.i.u.bf16.f32 v53;
	v38 =	vld.idx.msk [tilespmem:v4+s28+$0xFFFFFF60 ss:$0x1], $0xffff;
	v31 =	vadd.f32 v31, v62;
	v6 =	vadd.f32 v7, v6  }
0x6c: {  	v59 =	vunpack.i.u.bf16.f32 v55;
	v39 =	vld.idx.msk [tilespmem:v4+s28+$0xFFFFFF70 ss:$0x1], $0xffff;
	v7 =	vadd.f32 v9, v8;
	v12 =	vadd.f32 v15, v12  }
0x6d: {  	v28 =	vld.idx.msk [tilespmem:v4+s28+$0xFFFFFFA0 ss:$0x1], $0xffff;
	v49 =	vadd.f32 v17, v16;
	v8 =	vunpack.i.l.bf16.f32 v48;
	v16 =	vunpack.i.l.bf16.f32 v50  }
0x6e: {  	v63 =	vld.idx.msk [tilespmem:v5+s28+$0xFFFFFFB0 ss:$0x1], $0xffff;
	v54 =	vadd.f32 v25, v23;
	v23 =	vunpack.i.l.bf16.f32 v55;
	v10 =	vmul.bf16 v42, v10  }
0x6f: {  	v29 =	vld.idx.msk [tilespmem:v4+s28+$0xFFFFFFC0 ss:$0x1], $0xffff;
	v44 =	vadd.f32 v31, v30;
	v11 =	vmul.bf16 v14, v11;
	v13 =	vmul.bf16 v18, v13  }
0x70: {  	v46 =	vld.idx.msk [tilespmem:v5+s28+$0xFFFFFFC0 ss:$0x1], $0xffff;
	v20 =	vmul.bf16 v20, v40;
	v8 =	vadd.f32 v8, v22;
	v16 =	vadd.f32 v16, v52  }
0x71: {  	v9 =	vld.idx.msk [tilespmem:v5+s28+$0xFFFFFF40 ss:$0x1], $0xffff;
	v23 =	vadd.f32 v23, v59;
	v59 =	vmul.bf16 v32, v26;
	v6 =	vadd.f32 v7, v6  }
0x72: {  	v17 =	vld.idx.msk [tilespmem:v5+s28+$0xFFFFFF50 ss:$0x1], $0xffff;
	v7 =	vadd.f32 v49, v12;
	v12 =	vunpack.i.l.bf16.f32 v53;
	v45 =	vunpack.i.u.bf16.f32 v10  }
0x73: {  	v15 =	vld.idx.msk [tilespmem:v4+s28+$0xFFFFFFB0 ss:$0x1], $0xffff;
	v10 =	vunpack.i.l.bf16.f32 v10;
	v47 =	vunpack.i.u.bf16.f32 v11;
	v11 =	vunpack.i.l.bf16.f32 v11  }
0x74: {  	v25 =	vld.idx.msk [tilespmem:v5+s28+$0xFFFFFF80 ss:$0x1], $0xffff;
	v48 =	vunpack.i.u.bf16.f32 v13;
	v13 =	vunpack.i.l.bf16.f32 v13;
	v8 =	vadd.f32 v16, v8  }
0x75: {  	v14 =	vld.idx.msk [tilespmem:v4+s28+$0xFFFFFFF0 ss:$0x1], $0xffff;
	v40 =	vunpack.i.u.bf16.f32 v20;
	v12 =	vadd.f32 v12, v56;
	v10 =	vadd.f32 v10, v45  }
0x76: {  	v50 =	vld.idx.msk [tilespmem:v5+s28+$0xFFFFFFE0 ss:$0x1], $0xffff;
	v20 =	vunpack.i.l.bf16.f32 v20;
	v11 =	vadd.f32 v11, v47;
	v13 =	vadd.f32 v13, v48  }
0x77: {  	v31 =	vld.idx.msk [tilespmem:v4+s28+$0x10 ss:$0x1], $0xffff;
	v20 =	vadd.f32 v20, v40;
	v24 =	vmul.bf16 v24, v38;
	v27 =	vmul.bf16 v27, v39  }
0x78: {  	v18 =	vld.idx.msk [tilespmem:v4+s28+$0x80 ss:$0x1], $0xffff;
	v60 =	vmul.bf16 v60, v28;
	v26 =	vunpack.i.u.bf16.f32 v59;
	v43 =	vmul.bf16 v46, v29  }
0x79: {  	v22 =	vld.idx.msk [tilespmem:v4+s28+$0xFFFFFF80 ss:$0x1], $0xffff;
	v8 =	vadd.f32 v54, v8;
	v12 =	vadd.f32 v23, v12;
	v9 =	vmul.bf16 v9, v21  }
0x7a: {  	v52 =	vld.idx.msk [tilespmem:v4+s28+$0x0 ss:$0x1], $0xffff;
	v17 =	vmul.bf16 v17, v19;
	v54 =	vunpack.i.u.bf16.f32 v24;
	v24 =	vunpack.i.l.bf16.f32 v24  }
0x7b: {  	v32 =	vld.idx.msk [tilespmem:v4+s28+$0x70 ss:$0x1], $0xffff;
	v55 =	vunpack.i.u.bf16.f32 v27;
	v27 =	vunpack.i.l.bf16.f32 v27;
	v11 =	vadd.f32 v11, v10  }
0x7c: {  	v49 =	vld.idx.msk [tilespmem:v5+s28+$0xFFFFFFD0 ss:$0x1], $0xffff;
	v13 =	vadd.f32 v20, v13;
	v15 =	vmul.bf16 v63, v15;
	v28 =	vunpack.i.u.bf16.f32 v60  }
0x7d: {  	v16 =	vld.idx.msk [tilespmem:v4+s28+$0xFFFFFFE0 ss:$0x1], $0xffff;
	v30 =	vunpack.i.u.bf16.f32 v43;
	v14 =	vmul.bf16 v51, v14;
	v24 =	vadd.f32 v24, v54  }
0x7e: {  	v38 =	vld.idx.msk [tilespmem:v4+s28+$0x20 ss:$0x1], $0xffff;
	v27 =	vadd.f32 v27, v55;
	v58 =	vmul.bf16 v25, v22;
	v55 =	vmul.bf16 v57, v31  }
0x7f: {  	v56 =	vld.idx.msk [tilespmem:v5+s28+$0x0 ss:$0x1], $0xffff;
	v21 =	vunpack.i.u.bf16.f32 v9;
	v9 =	vunpack.i.l.bf16.f32 v9;
	v53 =	vunpack.i.u.bf16.f32 v17  }
0x80: {  	v46 =	vld.idx.msk [tilespmem:v5+s28+$0x60 ss:$0x1], $0xffff;
	v17 =	vunpack.i.l.bf16.f32 v17;
	v10 =	vadd.f32 v44, v12;
	v62 =	vunpack.i.u.bf16.f32 v15  }
0x81: {  	v20 =	vld.idx.msk [tilespmem:v5+s28+$0x20 ss:$0x1], $0xffff;
	v15 =	vunpack.i.l.bf16.f32 v15;
	v45 =	vmul.bf16 v49, v33;
	v9 =	vadd.f32 v9, v21  }
0x82: {  	v23 =	vld.idx.msk [tilespmem:v4+s28+$0x50 ss:$0x1], $0xffff;
	v17 =	vadd.f32 v17, v53;
	v24 =	vadd.f32 v27, v24;
	v61 =	vunpack.i.u.bf16.f32 v58  }
0x83: {  	v63 =	vld.idx.msk [tilespmem:v5+s28+$0x40 ss:$0x1], $0xffff;
	v12 =	vunpack.i.l.bf16.f32 v58;
	v15 =	vadd.f32 v15, v62;
	v16 =	vmul.bf16 v50, v16  }
0x84: {  	v22 =	vld.idx.msk [tilespmem:v4+s28+$0x40 ss:$0x1], $0xffff;
	v50 =	vunpack.i.u.bf16.f32 v14;
	v14 =	vunpack.i.l.bf16.f32 v14;
	v52 =	vmul.bf16 v56, v52  }
0x85: {  	v25 =	vld.idx.msk [tilespmem:v4+s28+$0x60 ss:$0x1], $0xffff;
	v12 =	vadd.f32 v12, v61;
	v48 =	vunpack.i.u.bf16.f32 v45;
	v14 =	vadd.f32 v14, v50  }
0x86: {  	v44 =	vld.idx.msk [tilespmem:v5+s28+$0x50 ss:$0x1], $0xffff;
	v17 =	vadd.f32 v17, v9;
	v9 =	vadd.f32 v13, v11;
	v13 =	vunpack.i.l.bf16.f32 v59  }
0x87: {  	v47 =	vld.idx.msk [tilespmem:v5+s28+$0x70 ss:$0x1], $0xffff;
	v49 =	vunpack.i.u.bf16.f32 v16;
	v16 =	vunpack.i.l.bf16.f32 v16;
	v57 =	vunpack.i.u.bf16.f32 v52  }
0x88: {  	v21 =	vld.idx.msk [tilespmem:v4+s28+$0x30 ss:$0x1], $0xffff;
	v20 =	vmul.bf16 v20, v38;
	v59 =	vunpack.i.u.bf16.f32 v55;
	v13 =	vadd.f32 v13, v26  }
0x89: {  	v27 =	vld.idx.msk [tilespmem:v5+s28+$0x30 ss:$0x1], $0xffff;
	v16 =	vadd.f32 v16, v49;
	v62 =	vmul.bf16 v63, v22;
	v11 =	vadd.f32 v24, v17  }
0x8a: {  	v53 =	vld.idx.msk [tilespmem:v5+s28+$0x80 ss:$0x1], $0xffff;
	v17 =	vunpack.i.l.bf16.f32 v60;
	v24 =	vunpack.i.l.bf16.f32 v43;
	v38 =	vunpack.i.u.bf16.f32 v20  }
0x8b: {  	v36 =	vld.idx.msk [tilespmem:v4+s28+$0xB0 ss:$0x1], $0xffff;
	v20 =	vunpack.i.l.bf16.f32 v20;
	v42 =	vmul.bf16 v44, v23;
	v44 =	vmul.bf16 v46, v25  }
0x8c: {  	v35 =	vld.idx.msk [tilespmem:v4+s28+$0xD0 ss:$0x1], $0xffff;
	v17 =	vadd.f32 v17, v28;
	v28 =	vunpack.i.l.bf16.f32 v45;
	v24 =	vadd.f32 v24, v30  }
0x8d: {  	v19 =	vld.idx.msk [tilespmem:v4+s28+$0xF0 ss:$0x1], $0xffff;
	v12 =	vadd.f32 v13, v12;
	v14 =	vadd.f32 v14, v16;
	v16 =	vunpack.i.l.bf16.f32 v55  }
0x8e: {  	v33 =	vld.idx.msk [tilespmem:v4+s28+$0x110 ss:$0x1], $0xffff;
	v21 =	vmul.bf16 v27, v21;
	v20 =	vadd.f32 v20, v38;
	v45 =	vmul.bf16 v47, v32  }
0x8f: {  	v56 =	vld.idx.msk [tilespmem:v5+s28+$0x90 ss:$0x1], $0xffff;
	v22 =	vunpack.i.u.bf16.f32 v62;
	v53 =	vmul.bf16 v53, v18;
	v32 =	vperm.xlane v8, v0  }
0x90: {  	v58 =	vld.idx.msk [tilespmem:v5+s28+$0xA0 ss:$0x1], $0xffff;
	v28 =	vadd.f32 v28, v48;
	v16 =	vadd.f32 v16, v59;
	v47 =	vunpack.i.u.bf16.f32 v42  }
0x91: {  	v46 =	vld.idx.msk [tilespmem:v5+s28+$0xD0 ss:$0x1], $0xffff;
	v49 =	vunpack.i.u.bf16.f32 v44;
	v23 =	vunpack.i.l.bf16.f32 v44;
	v51 =	vadd.f32 v15, v17  }
0x92: {  	v60 =	vld.idx.msk [tilespmem:v5+s28+$0xB0 ss:$0x1], $0xffff;
	v15 =	vunpack.i.l.bf16.f32 v52;
	v61 =	vunpack.i.u.bf16.f32 v21;
	v21 =	vunpack.i.l.bf16.f32 v21  }
0x93: {  	v30 =	vld.idx.msk [tilespmem:v4+s28+$0x90 ss:$0x1], $0xffff;
	v50 =	vunpack.i.u.bf16.f32 v45;
	v23 =	vadd.f32 v23, v49;
	v8 =	vadd.f32 v32, v8  }
0x94: {  	v43 =	vld.idx.msk [tilespmem:v5+s28+$0xC0 ss:$0x1], $0xffff;
	v25 =	vunpack.i.l.bf16.f32 v45;
	v54 =	vadd.f32 v28, v24;
	v15 =	vadd.f32 v15, v57  }
0x95: {  	v38 =	vld.idx.msk [tilespmem:v4+s28+$0xE0 ss:$0x1], $0xffff;
	v21 =	vadd.f32 v21, v61;
	v25 =	vadd.f32 v25, v50;
	v57 =	vunpack.i.u.bf16.f32 v53  }
0x96: {  	v48 =	vld.idx.msk [tilespmem:v5+s28+$0xE0 ss:$0x1], $0xffff;
	v12 =	vadd.f32 v51, v12;
	v26 =	vmul.bf16 v46, v35;
	v13 =	vadd.f32 v14, v54  }
0x97: {  	v59 =	vld.idx.msk [tilespmem:v5+s28+$0x100 ss:$0x1], $0xffff;
	v15 =	vadd.f32 v16, v15;
	v63 =	vadd.f32 v21, v20;
	v14 =	vunpack.i.l.bf16.f32 v62  }
0x98: {  	v52 =	vld.idx.msk [tilespmem:v4+s28+$0x100 ss:$0x1], $0xffff;
	v20 =	vunpack.i.l.bf16.f32 v42;
	v54 =	vadd.f32 v25, v23;
	v55 =	vmul.bf16 v56, v30  }
0x99: {  	v17 =	vld.idx.msk [tilespmem:v4+s28+$0x120 ss:$0x1], $0xffff;
	v56 =	vmul.bf16 v58, v34;
	v16 =	vunpack.i.l.bf16.f32 v53;
	v58 =	vmul.bf16 v60, v36  }
0x9a: {  	v28 =	vld.idx.msk [tilespmem:v4+s28+$0xC0 ss:$0x1], $0xffff;
	v34 =	vperm.xlane v9, v0;
	v22 =	vadd.f32 v14, v22;
	v20 =	vadd.f32 v20, v47  }
0x9b: {  	v61 =	vld.idx.msk [tilespmem:v5+s28+$0x120 ss:$0x1], $0xffff;
	v16 =	vadd.f32 v16, v57;
	v35 =	vunpack.i.u.bf16.f32 v26;
	v26 =	vunpack.i.l.bf16.f32 v26  }
0x9c: {  	v51 =	vld.idx.msk [tilespmem:v5+s28+$0xF0 ss:$0x1], $0xffff;
	v14 =	vadd.f32 v63, v15;
	v30 =	vunpack.i.u.bf16.f32 v55;
	v31 =	vunpack.i.u.bf16.f32 v56  }
0x9d: {  	v23 =	vld.idx.msk [tilespmem:v4+s28+$0x130 ss:$0x1], $0xffff;
	v36 =	vunpack.i.u.bf16.f32 v58;
	v25 =	vunpack.i.l.bf16.f32 v58;
	v26 =	vadd.f32 v26, v35  }
0x9e: {  	v60 =	vld.idx.msk [tilespmem:v5+s28+$0x110 ss:$0x1], $0xffff;
	v9 =	vadd.f32 v34, v9;
	v35 =	vperm.xlane v13, v0;
	v15 =	vadd.f32 v20, v22  }
0x9f: {  	v62 =	vld.idx.msk [tilespmem:v5+s28+$0x130 ss:$0x1], $0xffff;
	v20 =	vunpack.i.l.bf16.f32 v55;
	v22 =	vunpack.i.l.bf16.f32 v56;
	v21 =	vmul.bf16 v43, v28  }
0xa0: {  	v40 =	vld.idx.msk [tilespmem:v5+s28+$0x1A0 ss:$0x1], $0xffff;
	v25 =	vadd.f32 v25, v36;
	v43 =	vmul.bf16 v48, v38;
	v17 =	vmul.bf16 v61, v17  }
0xa1: {  	v44 =	vld.idx.msk [tilespmem:v4+s28+$0x150 ss:$0x1], $0xffff;
	v20 =	vadd.f32 v20, v30;
	v22 =	vadd.f32 v22, v31;
	v19 =	vmul.bf16 v51, v19  }
0xa2: {  	v45 =	vld.idx.msk [tilespmem:v4+s28+$0x160 ss:$0x1], $0xffff;
	v51 =	vmul.bf16 v59, v52;
	v42 =	vunpack.i.u.bf16.f32 v21;
	v21 =	vunpack.i.l.bf16.f32 v21  }
0xa3: {  	v50 =	vld.idx.msk [tilespmem:v5+s28+$0x160 ss:$0x1], $0xffff;
	v38 =	vunpack.i.u.bf16.f32 v43;
	v31 =	vunpack.i.l.bf16.f32 v43;
	v15 =	vadd.f32 v54, v15  }
0xa4: {  	v47 =	vld.idx.msk [tilespmem:v5+s28+$0x140 ss:$0x1], $0xffff;
	v53 =	vmul.bf16 v60, v33;
	v23 =	vmul.bf16 v62, v23;
	v59 =	vunpack.i.u.bf16.f32 v17  }
0xa5: {  	v63 =	vld.idx.msk [tilespmem:v4+s28+$0x140 ss:$0x1], $0xffff;
	v17 =	vunpack.i.l.bf16.f32 v17;
	v33 =	vperm.xlane v11, v0;
	v21 =	vadd.f32 v21, v42  }
0xa6: {  	v58 =	vld.idx.msk [tilespmem:v4+s28+$0x1A0 ss:$0x1], $0xffff;
	v39 =	vunpack.i.u.bf16.f32 v19;
	v19 =	vunpack.i.l.bf16.f32 v19;
	v31 =	vadd.f32 v31, v38  }
0xa7: {  	v46 =	vld.idx.msk [tilespmem:v4+s28+$0x170 ss:$0x1], $0xffff;
	v16 =	vadd.f32 v20, v16;
	v49 =	vadd.f32 v25, v22;
	v55 =	vunpack.i.u.bf16.f32 v51  }
0xa8: {  	v48 =	vld.idx.msk [tilespmem:v5+s28+$0x150 ss:$0x1], $0xffff;
	v25 =	vunpack.i.l.bf16.f32 v51;
	v17 =	vadd.f32 v17, v59;
	v22 =	vmul.bf16 v50, v45  }
0xa9: {  	v56 =	vld.idx.msk [tilespmem:v4+s28+$0x190 ss:$0x1], $0xffff;
	v38 =	vperm.xlane v14, v0;
	v19 =	vadd.f32 v19, v39;
	v57 =	vunpack.i.u.bf16.f32 v53  }
0xaa: {  	v52 =	vld.idx.msk [tilespmem:v5+s28+$0x170 ss:$0x1], $0xffff;
	v18 =	vunpack.i.l.bf16.f32 v53;
	v61 =	vunpack.i.u.bf16.f32 v23;
	v23 =	vunpack.i.l.bf16.f32 v23  }
0xab: {  	v54 =	vld.idx.msk [tilespmem:v4+s28+$0x180 ss:$0x1], $0xffff;
	v28 =	vmul.bf16 v47, v63;
	v24 =	vmul.bf16 v40, v58;
	v21 =	vadd.f32 v26, v21  }
0xac: {  	v62 =	vld.idx.msk [tilespmem:v5+s28+$0x180 ss:$0x1], $0xffff;
	v37 =	vperm.xlane v15, v0;
	v16 =	vadd.f32 v49, v16;
	v18 =	vadd.f32 v18, v57  }
0xad: {  	v60 =	vld.idx.msk [tilespmem:v4+s28+$0x1B0 ss:$0x1], $0xffff;
	v23 =	vadd.f32 v23, v61;
	v39 =	vmul.bf16 v48, v44;
	v36 =	vunpack.i.u.bf16.f32 v22  }
0xae: {  	v42 =	vld.idx.msk [tilespmem:v5+s28+$0x1B0 ss:$0x1], $0xffff;
	v22 =	vunpack.i.l.bf16.f32 v22;
	v40 =	vadd.f32 v38, v14;
	v19 =	vadd.f32 v19, v31  }
0xaf: {  	v63 =	vld.idx.msk [tilespmem:v5+s28+$0x190 ss:$0x1], $0xffff;
	v41 =	vunpack.i.u.bf16.f32 v28;
	v28 =	vunpack.i.l.bf16.f32 v28;
	v26 =	vmul.bf16 v52, v46  }
0xb0: {  	v47 =	vld.idx.msk [tilespmem:v4+s28+$0x1E0 ss:$0x1], $0xffff;
	v22 =	vadd.f32 v22, v36;
	v31 =	vperm.xlane v10, v0;
	v36 =	vperm.xlane v12, v0  }
0xb1: {  	v53 =	vld.idx.msk [tilespmem:v5+s28+$0x1E0 ss:$0x1], $0xffff;
	v43 =	vunpack.i.u.bf16.f32 v39;
	v28 =	vadd.f32 v28, v41;
	v20 =	vmul.bf16 v62, v54  }
0xb2: {  	v44 =	vld.idx.msk [tilespmem:v4+s28+$0x1C0 ss:$0x1], $0xffff;
	v17 =	vadd.f32 v23, v17;
	v41 =	vperm.xlane v16, v0;
	v19 =	vadd.f32 v19, v21  }
0xb3: {  	v49 =	vld.idx.msk [tilespmem:v5+s28+$0x1C0 ss:$0x1], $0xffff;
	v21 =	vadd.f32 v25, v55;
	v46 =	vunpack.i.u.bf16.f32 v26;
	v26 =	vunpack.i.l.bf16.f32 v26  }
0xb4: {  	v52 =	vmul.bf16 v42, v60;
	v10 =	vadd.f32 v31, v10;
	v26 =	vadd.f32 v26, v46  }
0xb5: {  	v50 =	vunpack.i.u.bf16.f32 v20;
	v27 =	vmul.bf16 v63, v56;
	v20 =	vunpack.i.l.bf16.f32 v20  }
0xb6: {  	v56 =	vunpack.i.u.bf16.f32 v24;
	v24 =	vunpack.i.l.bf16.f32 v24;
	v58 =	vmul.bf16 v53, v47  }
0xb7: {  	v14 =	vadd.f32 v41, v16;
	v18 =	vadd.f32 v18, v21;
	v21 =	vunpack.i.l.bf16.f32 v39  }
0xb8: {  	v45 =	vld.idx.msk [tilespmem:v4+s28+$0x1D0 ss:$0x1], $0xffff;
	v20 =	vadd.f32 v20, v50;
	v23 =	vmul.bf16 v49, v44;
	v57 =	vunpack.i.u.bf16.f32 v52  }
0xb9: {  	v48 =	vld.idx.msk [tilespmem:v4+s28+$0x1F0 ss:$0x1], $0xffff;
	v24 =	vadd.f32 v24, v56;
	v8 =	vsel vm0, v8, v10;
	v10 =	vadd.f32 v35, v13  }
0xba: {  	v55 =	vld.idx.msk [tilespmem:v5+s28+$0x1F0 ss:$0x1], $0xffff;
	v29 =	vunpack.i.l.bf16.f32 v52;
	v21 =	vadd.f32 v21, v43;
	v22 =	vadd.f32 v26, v22  }
0xbb: {  	v51 =	vld.idx.msk [tilespmem:v5+s28+$0x1D0 ss:$0x1], $0xffff;
	v54 =	vunpack.i.u.bf16.f32 v27;
	v27 =	vunpack.i.l.bf16.f32 v27;
	v29 =	vadd.f32 v29, v57  }
0xbc: {  	v61 =	vunpack.i.u.bf16.f32 v58;
	v30 =	vunpack.i.l.bf16.f32 v58;
	v50 =	vperm.xlane v8, v1  }
0xbd: {  	v27 =	vadd.f32 v27, v54;
	v59 =	vunpack.i.u.bf16.f32 v23;
	v30 =	vadd.f32 v30, v61  }
0xbe: {  	v23 =	vunpack.i.l.bf16.f32 v23;
	v17 =	vadd.f32 v17, v18;
	v21 =	vadd.f32 v21, v28  }
0xbf: {  	v25 =	vmul.bf16 v55, v48;
	v23 =	vadd.f32 v23, v59;
	v24 =	vadd.f32 v29, v24  }
0xc0: {  	v28 =	vmul.bf16 v51, v45;
	v8 =	vadd.f32 v50, v8;
	v20 =	vadd.f32 v27, v20  }
0xc1: {  	v43 =	vperm.xlane v17, v0;
	v62 =	vunpack.i.u.bf16.f32 v25;
	v25 =	vunpack.i.l.bf16.f32 v25  }
0xc2: {  	v60 =	vunpack.i.u.bf16.f32 v28;
	v28 =	vunpack.i.l.bf16.f32 v28;
	v25 =	vadd.f32 v25, v62  }
0xc3: {  	v63 =	vadd.f32 v22, v21;
	v26 =	vadd.f32 v28, v60;
	v28 =	vperm.xlane v7, v0  }
0xc4: {  	v20 =	vadd.f32 v24, v20;
	v25 =	vadd.f32 v25, v30;
	v30 =	vperm.xlane v6, v0  }
0xc5: {  	v47 =	vadd.f32 v43, v17;
	v42 =	vperm.xlane v63, v0;
	v23 =	vadd.f32 v26, v23  }
0xc6: {  	v7 =	vadd.f32 v28, v7;
	v45 =	vperm.xlane v20, v0;
	v6 =	vadd.f32 v30, v6  }
0xc7: {  	v39 =	vperm.xlane v19, v0;
	v46 =	vadd.f32 v42, v63;
	v29 =	vadd.f32 v25, v23  }
0xc8: {  	v49 =	vadd.f32 v45, v20;
	v6 =	vsel vm0, v6, v7;
	v7 =	vadd.f32 v33, v11  }
0xc9: {  	v11 =	vadd.f32 v36, v12;
	v12 =	vadd.f32 v39, v19;
	v44 =	vperm.xlane v29, v0  }
0xca: {  	v51 =	vperm.xlane v6, v1;
	v7 =	vsel vm0, v9, v7;
	v9 =	vadd.f32 v37, v15  }
0xcb: {  	v10 =	vsel vm0, v11, v10;
	v48 =	vadd.f32 v44, v29;
	v12 =	vsel vm0, v14, v12  }
0xcc: {  	v11 =	vsel vm0, v47, v46;
	v52 =	vperm.xlane v10, v1;
	v53 =	vperm.xlane v7, v1  }
0xcd: {  	v6 =	vadd.f32 v51, v6;
	v54 =	vperm.xlane v12, v1;
	v57 =	vperm.xlane v11, v1  }
0xce: {  	v9 =	vsel vm0, v40, v9;
	v13 =	vsel vm0, v49, v48;
	v10 =	vadd.f32 v52, v10  }
0xcf: {  	v55 =	vperm.xlane v9, v1;
	v7 =	vadd.f32 v53, v7;
	v56 =	vperm.xlane v13, v1  }
0xd0: {  	v12 =	vadd.f32 v54, v12;
	v11 =	vadd.f32 v57, v11  }
0xd1: {  	v6 =	vsel vm1, v6, v8;
	v9 =	vadd.f32 v55, v9;
	v13 =	vadd.f32 v56, v13  }
0xd2: {  	v60 =	vperm.xlane v6, v2;
	v7 =	vsel vm1, v7, v10  }
0xd3: {  	v10 =	vperm.xlane v7, v2;
	v58 =	vsel vm1, v9, v12;
	v59 =	vsel vm1, v11, v13  }
0xd4: {  	v61 =	vperm.xlane v59, v2;
	v62 =	vperm.xlane v58, v2  }
0xd5: {  	v6 =	vadd.f32 v60, v6;
	v7 =	vadd.f32 v10, v7  }
0xd6: {  	v9 =	vadd.f32 v61, v59;
	v8 =	vadd.f32 v62, v58;
	_ =	sdelay $0x1  }
0xd7: {  	v6 =	vsel vm2, v6, v7;
	v7 =	vsel vm2, v8, v9  }
0xd8: {  	p0 =	sne.s32 s26, $0x7000;
	v63 =	vperm.xlane v6, v3;
	v8 =	vperm.xlane v7, v3  }
.Ltmp0:
0xd9: {  	_ = 	snop;
	(pc) =	sbr.rel @p0 .LBB2_3-.Ltmp0, $3  }
0xda: {  	v6 =	vadd.f32 v63, v6;
	v7 =	vadd.f32 v7, v8;
	_ =	sdelay $0x1  }
0xdb: {  	v6 =	vsel vm3, v6, v7  }
0xdc: {  	s26 =	sadd.s32 $0x1000, s26;
	[tilespmem:s25+$0x0] =	vst v6;
	s25 =	sadd.s32 $0x10, s25  }
0xdd: {  	s24 =	sadd.s32 $0x1, s24  }
0xde: {  	p0 =	sne.s32 s24, $0x4F  }
.Ltmp1:
0xdf: {  	_ = 	snop;
	(pc) =	sbr.rel @p0 .LBB2_2-.Ltmp1, $2  }
0xe0: {  	_ =	sdelay $0x2  }
0xe1: {  	s23 =	sadd.s32 $0x80, s23;
	s22 =	sadd.s32 $0x1, s22  }
0xe2: {  	s21 =	sadd.s32 $0x1, s21  }
0xe3: {  	p0 =	sne.s32 s21, s7  }
.Ltmp2:
0xe4: {  	_ = 	snop;
	(pc) =	sbr.rel @p0 .LBB2_1-.Ltmp2, $4  }
0xe5: {  	[hbm4b:s6+s2] =	stream.linear.scatter [tilespmem:s20], [sflag:$0x5], $0x2710, $0x38;
	[tilespmem:$0x17530] =	vst v63  }
0xe6: {  	_ =	swait.ge [sflag:s8], $0x2710  }
0xe7: {  	[sflag:s8] =	ssyncset.done $0x0  }
0xe8: {  	[sflag:s8] =	ssyncadd.s32 $0xFFFFD8F0  }
0xe9: {  	_ =	sfence.sel $0x180000  }
0xea: {  	[bflag:$0x0] =	sbarrier.arrive $0xFFFF  }
0xeb: {  	p0 =	sne.s32 s1, $0x0;
	_ =	strace $0x90000047  }
0xec: {  	s0 =	sadd.s32 @!p0 $0x100000, s3;
	[bflag:$0x2] =	sbarrier.arrive $0xFFFF  }
0xed: {  	[sflag:s0] =	ssyncadd.tile.s32 @!p0 $0x1;
	_ =	shalt  }
.Lfunc_end2:
_tile_overlayer_lowered:
.L_overlay_start_2:
0xee: {  	(tag) =	ssettag $0x2  }
0xef: {  	s0 =	rddreg [dreg:$0x0];
	s2 =	stileid.u32  }
0xf0: {  	s1 =	rddreg [dreg:$0x1];
	p0 =	sne.s32 s2, $0x0  }
0xf1: {  	s3 =	rddreg [dreg:$0x2];
	[bflag:$0x3] =	sbarrier.arrive $0xFFFF;
	s2 =	simm.s32 @!p0 $0x1C05  }
0xf2: {  	[timem:s3], [sflag:s2] =	dma.local @!p0 [hbm:s0], s1  }
0xf3: {  	s0 =	simm.s32 @!p0 $0x5  }
0xf4: {  	_ =	swait.ge @!p0 [sflag:s0], s1  }
0xf5: {  	s1 =	ssub.s32 @!p0 $0x0, s1;
	[sflag:s0] =	ssyncset.done @!p0 $0x0  }
0xf6: {  	[sflag:s0] =	ssyncadd.s32 @!p0 s1  }
0xf7: {  	[bflag:$0x3] =	sbarrier.arrive $0xFFFF  }
0xf8: {  	_ =	shalt  }

</sc_bundles>
